<compile_context>
chip_gen: v7x
topology: tpu7x:2x2x1
jax: 0.10.2.dev20260603
libtpu: 0.0.44.dev20260713+nightly
codegen_flags: <defaults>
</compile_context>

<pallas_src>
import functools

import jax
import jax.numpy as jnp
from jax import lax
from jax.experimental import pallas as pl
from jax.experimental.pallas import tpu as pltpu
from jax.experimental.pallas import tpu_sc as plsc

VOCAB = 100000
DIM = 128
BATCH = 4096
SEQ = 50
N = BATCH * SEQ
NC = 2
NS = 16
NW = NC * NS
PER_W = N // NW
CHUNK = 64
NCHUNK = PER_W // CHUNK
NBUF = 8
MAIN = NCHUNK - (NCHUNK % NBUF)

_mesh = plsc.VectorSubcoreMesh(
    core_axis_name="c", subcore_axis_name="s", num_cores=NC, num_subcores=NS
)


@functools.partial(
    pl.kernel,
    out_type=jax.ShapeDtypeStruct((N, DIM), jnp.float32),
    mesh=_mesh,
    compiler_params=pltpu.CompilerParams(use_tc_tiling_on_sc=True),
    scratch_types=[
        pltpu.VMEM((PER_W,), jnp.int32),
        pltpu.VMEM((NBUF, CHUNK, DIM), jnp.float32),
        [pltpu.SemaphoreType.DMA] * NBUF,
    ],
)
def _emb_lookup(x_hbm, var_hbm, out_hbm, idx_v, bufs, gsem):
    wid = lax.axis_index("s") * NC + lax.axis_index("c")
    base = wid * PER_W
    pltpu.sync_copy(x_hbm.at[pl.ds(base, PER_W)], idx_v)

    def gather(v, b):
        return pltpu.make_async_copy(
            var_hbm.at[idx_v.at[pl.ds(v * CHUNK, CHUNK)]], bufs.at[b], gsem[b]
        )

    for b in range(NBUF):
        gather(b, b).start()

    @pl.loop(0, MAIN, step=NBUF)
    def _(c):
        for b in range(NBUF):
            v = c + b
            gather(v, b).wait()
            pltpu.sync_copy(bufs.at[b], out_hbm.at[pl.ds(base + v * CHUNK, CHUNK)])
            nxt = v + NBUF

            @pl.when(nxt < NCHUNK)
            def _():
                gather(nxt, b).start()

    for v in range(MAIN, NCHUNK):
        b = v % NBUF
        gather(v, b).wait()
        pltpu.sync_copy(bufs.at[b], out_hbm.at[pl.ds(base + v * CHUNK, CHUNK)])


def kernel(x, var):
    flat = _emb_lookup(x.reshape(N).astype(jnp.int32), var)
    return flat.reshape(BATCH, SEQ, DIM)

# --- scband reference (transcript-rebuilt; emitter-appended) ---
"""Pipeline reference for scband-embedding-42803644072362 (READ-ONLY COPY).

The authoritative reference and input builder live on the scoring server;
editing this copy changes nothing except your own understanding.
"""

import jax, jax.numpy as jnp
import numpy as np

VOCAB = 100000
DIM = 128
B = 4096
L = 50


def setup_inputs(seed: int = 0) -> dict:
    key = jax.random.key(seed)
    k1, k2 = jax.random.split(key)
    x = jax.random.randint(k1, (B, L), 0, VOCAB)
    # embedding table initialized uniform(-1, 1) as in the keras layer
    var = jax.random.uniform(k2, (VOCAB, DIM), minval=-1.0, maxval=1.0, dtype=jnp.float32)
    return {"x": x, "var": var}


def reference(x, var):
    # tf.nn.embedding_lookup(var, x); normalize=False and keep_prob=1.0 so
    # no freq-normalization and no dropout are applied.
    embedded = jnp.take(var, x, axis=0)
    return embedded

if __name__ == "__main__":
    import jax
    _d = setup_inputs()
    print(jax.jit(kernel)(*tuple(_d.values())))

</pallas_src>

<mosaic_0001>
#map = affine_map<(d0, d1) -> (0)>
#map1 = affine_map<(d0, d1) -> (0, 0)>
module attributes {stable_mosaic.version = 14 : i64} {
  func.func @_emb_lookup(%arg0: i32, %arg1: i32, %arg2: memref<204800xi32, #tpu.memory_space<hbm>>, %arg3: memref<100000x128xf32, #tpu.memory_space<hbm>>, %arg4: memref<204800x128xf32, #tpu.memory_space<hbm>>, %arg5: memref<6400xi32, #tpu.memory_space<vmem>>, %arg6: memref<8x64x128xf32, #tpu.memory_space<vmem>>, %arg7: memref<!tpu.dma_semaphore, #tpu.memory_space<semaphore_mem>>, %arg8: memref<!tpu.dma_semaphore, #tpu.memory_space<semaphore_mem>>, %arg9: memref<!tpu.dma_semaphore, #tpu.memory_space<semaphore_mem>>, %arg10: memref<!tpu.dma_semaphore, #tpu.memory_space<semaphore_mem>>, %arg11: memref<!tpu.dma_semaphore, #tpu.memory_space<semaphore_mem>>, %arg12: memref<!tpu.dma_semaphore, #tpu.memory_space<semaphore_mem>>, %arg13: memref<!tpu.dma_semaphore, #tpu.memory_space<semaphore_mem>>, %arg14: memref<!tpu.dma_semaphore, #tpu.memory_space<semaphore_mem>>) attributes {dimension_semantics = [#tpu.dimension_semantics<core_parallel>, #tpu.dimension_semantics<subcore_parallel>], iteration_bounds = array<i64: 2, 16>, scalar_prefetch = 0 : i64, scratch_operands = 10 : i64, tpu.core_type = #tpu.core_type<sc_vector_subcore>, window_params = [{transform_indices = #map}, {transform_indices = #map1}, {transform_indices = #map1}]} {
    %mul3A = arith.constant 2 : i32
    %mul3A_0 = arith.muli %arg1, %mul3A : i32
    %add3A = arith.addi %mul3A_0, %arg0 : i32
    %mul3A_1 = arith.constant 6400 : i32
    %mul3A_2 = arith.muli %add3A, %mul3A_1 : i32
    "tpu.region"() ({
      %run_scoped3A_136 = tpu.sem_alloc : memref<!tpu.dma_semaphore, #tpu.memory_space<semaphore_mem>>
      %dma_start3A_137 = tpu.memref_slice %arg2[%mul3A_2] : memref<204800xi32, #tpu.memory_space<hbm>> -> memref<6400xi32, #tpu.memory_space<hbm>>
      %dma_start3A_138 = tpu.memref_slice %arg2[%mul3A_2] : memref<204800xi32, #tpu.memory_space<hbm>> -> memref<6400xi32, #tpu.memory_space<hbm>>
      tpu.enqueue_dma source(%dma_start3A_138 : memref<6400xi32, #tpu.memory_space<hbm>>) target(%arg5 : memref<6400xi32, #tpu.memory_space<vmem>>) target_semaphore(%run_scoped3A_136 : memref<!tpu.dma_semaphore, #tpu.memory_space<semaphore_mem>>)
      %dma_wait3A_139 = tpu.memref_slice %arg2[%mul3A_2] : memref<204800xi32, #tpu.memory_space<hbm>> -> memref<6400xi32, #tpu.memory_space<hbm>>
      %dma_wait3A_140 = tpu.memref_slice %arg2[%mul3A_2] : memref<204800xi32, #tpu.memory_space<hbm>> -> memref<6400xi32, #tpu.memory_space<hbm>>
      tpu.wait_dma2 semaphore(%run_scoped3A_136 : memref<!tpu.dma_semaphore, #tpu.memory_space<semaphore_mem>>) src(%dma_wait3A_140 : memref<6400xi32, #tpu.memory_space<hbm>>) dst(%arg5 : memref<6400xi32, #tpu.memory_space<vmem>>)
      tpu.yield
    }) : () -> ()
    %dma_start3A = arith.constant 0 : i32
    %dma_start3A_3 = arith.constant 0 : i32
    %dma_start3A_4 = arith.constant 0 : i32
    %dma_start3A_5 = tpu.memref_slice %arg6[%dma_start3A, %dma_start3A_3, %dma_start3A_4] : memref<8x64x128xf32, #tpu.memory_space<vmem>> -> memref<1x64x128xf32, #tpu.memory_space<vmem>>
    %dma_start3A_6 = tpu.memref_squeeze %dma_start3A_5 : memref<1x64x128xf32, #tpu.memory_space<vmem>> -> memref<64x128xf32, #tpu.memory_space<vmem>>
    %dma_start3A_7 = arith.constant 0 : i32
    %dma_start3A_8 = tpu.memref_slice %arg5[%dma_start3A_7] : memref<6400xi32, #tpu.memory_space<vmem>> -> memref<64xi32, #tpu.memory_space<vmem>>
    %dma_start3A_9 = arith.constant 0 : i32
    %dma_start3A_10 = arith.constant 0 : i32
    %dma_start3A_11 = tpu.memref_slice %arg3[%dma_start3A_9, %dma_start3A_10] : memref<100000x128xf32, #tpu.memory_space<hbm>> -> memref<100000x128xf32, #tpu.memory_space<hbm>>
    tpu.enqueue_indirect_dma source(%dma_start3A_11 : memref<100000x128xf32, #tpu.memory_space<hbm>>) target(%dma_start3A_6 : memref<64x128xf32, #tpu.memory_space<vmem>>) offsets(%dma_start3A_8 : memref<64xi32, #tpu.memory_space<vmem>>) semaphore(%arg7 : memref<!tpu.dma_semaphore, #tpu.memory_space<semaphore_mem>>)
    %dma_start3A_12 = arith.constant 1 : i32
    %dma_start3A_13 = arith.constant 0 : i32
    %dma_start3A_14 = arith.constant 0 : i32
    %dma_start3A_15 = tpu.memref_slice %arg6[%dma_start3A_12, %dma_start3A_13, %dma_start3A_14] : memref<8x64x128xf32, #tpu.memory_space<vmem>> -> memref<1x64x128xf32, #tpu.memory_space<vmem>>
    %dma_start3A_16 = tpu.memref_squeeze %dma_start3A_15 : memref<1x64x128xf32, #tpu.memory_space<vmem>> -> memref<64x128xf32, #tpu.memory_space<vmem>>
    %dma_start3A_17 = arith.constant 64 : i32
    %dma_start3A_18 = tpu.memref_slice %arg5[%dma_start3A_17] : memref<6400xi32, #tpu.memory_space<vmem>> -> memref<64xi32, #tpu.memory_space<vmem>>
    %dma_start3A_19 = arith.constant 0 : i32
    %dma_start3A_20 = arith.constant 0 : i32
    %dma_start3A_21 = tpu.memref_slice %arg3[%dma_start3A_19, %dma_start3A_20] : memref<100000x128xf32, #tpu.memory_space<hbm>> -> memref<100000x128xf32, #tpu.memory_space<hbm>>
    tpu.enqueue_indirect_dma source(%dma_start3A_21 : memref<100000x128xf32, #tpu.memory_space<hbm>>) target(%dma_start3A_16 : memref<64x128xf32, #tpu.memory_space<vmem>>) offsets(%dma_start3A_18 : memref<64xi32, #tpu.memory_space<vmem>>) semaphore(%arg8 : memref<!tpu.dma_semaphore, #tpu.memory_space<semaphore_mem>>)
    %dma_start3A_22 = arith.constant 2 : i32
    %dma_start3A_23 = arith.constant 0 : i32
    %dma_start3A_24 = arith.constant 0 : i32
    %dma_start3A_25 = tpu.memref_slice %arg6[%dma_start3A_22, %dma_start3A_23, %dma_start3A_24] : memref<8x64x128xf32, #tpu.memory_space<vmem>> -> memref<1x64x128xf32, #tpu.memory_space<vmem>>
    %dma_start3A_26 = tpu.memref_squeeze %dma_start3A_25 : memref<1x64x128xf32, #tpu.memory_space<vmem>> -> memref<64x128xf32, #tpu.memory_space<vmem>>
    %dma_start3A_27 = arith.constant 128 : i32
    %dma_start3A_28 = tpu.memref_slice %arg5[%dma_start3A_27] : memref<6400xi32, #tpu.memory_space<vmem>> -> memref<64xi32, #tpu.memory_space<vmem>>
    %dma_start3A_29 = arith.constant 0 : i32
    %dma_start3A_30 = arith.constant 0 : i32
    %dma_start3A_31 = tpu.memref_slice %arg3[%dma_start3A_29, %dma_start3A_30] : memref<100000x128xf32, #tpu.memory_space<hbm>> -> memref<100000x128xf32, #tpu.memory_space<hbm>>
    tpu.enqueue_indirect_dma source(%dma_start3A_31 : memref<100000x128xf32, #tpu.memory_space<hbm>>) target(%dma_start3A_26 : memref<64x128xf32, #tpu.memory_space<vmem>>) offsets(%dma_start3A_28 : memref<64xi32, #tpu.memory_space<vmem>>) semaphore(%arg9 : memref<!tpu.dma_semaphore, #tpu.memory_space<semaphore_mem>>)
    %dma_start3A_32 = arith.constant 3 : i32
    %dma_start3A_33 = arith.constant 0 : i32
    %dma_start3A_34 = arith.constant 0 : i32
    %dma_start3A_35 = tpu.memref_slice %arg6[%dma_start3A_32, %dma_start3A_33, %dma_start3A_34] : memref<8x64x128xf32, #tpu.memory_space<vmem>> -> memref<1x64x128xf32, #tpu.memory_space<vmem>>
    %dma_start3A_36 = tpu.memref_squeeze %dma_start3A_35 : memref<1x64x128xf32, #tpu.memory_space<vmem>> -> memref<64x128xf32, #tpu.memory_space<vmem>>
    %dma_start3A_37 = arith.constant 192 : i32
    %dma_start3A_38 = tpu.memref_slice %arg5[%dma_start3A_37] : memref<6400xi32, #tpu.memory_space<vmem>> -> memref<64xi32, #tpu.memory_space<vmem>>
    %dma_start3A_39 = arith.constant 0 : i32
    %dma_start3A_40 = arith.constant 0 : i32
    %dma_start3A_41 = tpu.memref_slice %arg3[%dma_start3A_39, %dma_start3A_40] : memref<100000x128xf32, #tpu.memory_space<hbm>> -> memref<100000x128xf32, #tpu.memory_space<hbm>>
    tpu.enqueue_indirect_dma source(%dma_start3A_41 : memref<100000x128xf32, #tpu.memory_space<hbm>>) target(%dma_start3A_36 : memref<64x128xf32, #tpu.memory_space<vmem>>) offsets(%dma_start3A_38 : memref<64xi32, #tpu.memory_space<vmem>>) semaphore(%arg10 : memref<!tpu.dma_semaphore, #tpu.memory_space<semaphore_mem>>)
    %dma_start3A_42 = arith.constant 4 : i32
    %dma_start3A_43 = arith.constant 0 : i32
    %dma_start3A_44 = arith.constant 0 : i32
    %dma_start3A_45 = tpu.memref_slice %arg6[%dma_start3A_42, %dma_start3A_43, %dma_start3A_44] : memref<8x64x128xf32, #tpu.memory_space<vmem>> -> memref<1x64x128xf32, #tpu.memory_space<vmem>>
    %dma_start3A_46 = tpu.memref_squeeze %dma_start3A_45 : memref<1x64x128xf32, #tpu.memory_space<vmem>> -> memref<64x128xf32, #tpu.memory_space<vmem>>
    %dma_start3A_47 = arith.constant 256 : i32
    %dma_start3A_48 = tpu.memref_slice %arg5[%dma_start3A_47] : memref<6400xi32, #tpu.memory_space<vmem>> -> memref<64xi32, #tpu.memory_space<vmem>>
    %dma_start3A_49 = arith.constant 0 : i32
    %dma_start3A_50 = arith.constant 0 : i32
    %dma_start3A_51 = tpu.memref_slice %arg3[%dma_start3A_49, %dma_start3A_50] : memref<100000x128xf32, #tpu.memory_space<hbm>> -> memref<100000x128xf32, #tpu.memory_space<hbm>>
    tpu.enqueue_indirect_dma source(%dma_start3A_51 : memref<100000x128xf32, #tpu.memory_space<hbm>>) target(%dma_start3A_46 : memref<64x128xf32, #tpu.memory_space<vmem>>) offsets(%dma_start3A_48 : memref<64xi32, #tpu.memory_space<vmem>>) semaphore(%arg11 : memref<!tpu.dma_semaphore, #tpu.memory_space<semaphore_mem>>)
    %dma_start3A_52 = arith.constant 5 : i32
    %dma_start3A_53 = arith.constant 0 : i32
    %dma_start3A_54 = arith.constant 0 : i32
    %dma_start3A_55 = tpu.memref_slice %arg6[%dma_start3A_52, %dma_start3A_53, %dma_start3A_54] : memref<8x64x128xf32, #tpu.memory_space<vmem>> -> memref<1x64x128xf32, #tpu.memory_space<vmem>>
    %dma_start3A_56 = tpu.memref_squeeze %dma_start3A_55 : memref<1x64x128xf32, #tpu.memory_space<vmem>> -> memref<64x128xf32, #tpu.memory_space<vmem>>
    %dma_start3A_57 = arith.constant 320 : i32
    %dma_start3A_58 = tpu.memref_slice %arg5[%dma_start3A_57] : memref<6400xi32, #tpu.memory_space<vmem>> -> memref<64xi32, #tpu.memory_space<vmem>>
    %dma_start3A_59 = arith.constant 0 : i32
    %dma_start3A_60 = arith.constant 0 : i32
    %dma_start3A_61 = tpu.memref_slice %arg3[%dma_start3A_59, %dma_start3A_60] : memref<100000x128xf32, #tpu.memory_space<hbm>> -> memref<100000x128xf32, #tpu.memory_space<hbm>>
    tpu.enqueue_indirect_dma source(%dma_start3A_61 : memref<100000x128xf32, #tpu.memory_space<hbm>>) target(%dma_start3A_56 : memref<64x128xf32, #tpu.memory_space<vmem>>) offsets(%dma_start3A_58 : memref<64xi32, #tpu.memory_space<vmem>>) semaphore(%arg12 : memref<!tpu.dma_semaphore, #tpu.memory_space<semaphore_mem>>)
    %dma_start3A_62 = arith.constant 6 : i32
    %dma_start3A_63 = arith.constant 0 : i32
    %dma_start3A_64 = arith.constant 0 : i32
    %dma_start3A_65 = tpu.memref_slice %arg6[%dma_start3A_62, %dma_start3A_63, %dma_start3A_64] : memref<8x64x128xf32, #tpu.memory_space<vmem>> -> memref<1x64x128xf32, #tpu.memory_space<vmem>>
    %dma_start3A_66 = tpu.memref_squeeze %dma_start3A_65 : memref<1x64x128xf32, #tpu.memory_space<vmem>> -> memref<64x128xf32, #tpu.memory_space<vmem>>
    %dma_start3A_67 = arith.constant 384 : i32
    %dma_start3A_68 = tpu.memref_slice %arg5[%dma_start3A_67] : memref<6400xi32, #tpu.memory_space<vmem>> -> memref<64xi32, #tpu.memory_space<vmem>>
    %dma_start3A_69 = arith.constant 0 : i32
    %dma_start3A_70 = arith.constant 0 : i32
    %dma_start3A_71 = tpu.memref_slice %arg3[%dma_start3A_69, %dma_start3A_70] : memref<100000x128xf32, #tpu.memory_space<hbm>> -> memref<100000x128xf32, #tpu.memory_space<hbm>>
    tpu.enqueue_indirect_dma source(%dma_start3A_71 : memref<100000x128xf32, #tpu.memory_space<hbm>>) target(%dma_start3A_66 : memref<64x128xf32, #tpu.memory_space<vmem>>) offsets(%dma_start3A_68 : memref<64xi32, #tpu.memory_space<vmem>>) semaphore(%arg13 : memref<!tpu.dma_semaphore, #tpu.memory_space<semaphore_mem>>)
    %dma_start3A_72 = arith.constant 7 : i32
    %dma_start3A_73 = arith.constant 0 : i32
    %dma_start3A_74 = arith.constant 0 : i32
    %dma_start3A_75 = tpu.memref_slice %arg6[%dma_start3A_72, %dma_start3A_73, %dma_start3A_74] : memref<8x64x128xf32, #tpu.memory_space<vmem>> -> memref<1x64x128xf32, #tpu.memory_space<vmem>>
    %dma_start3A_76 = tpu.memref_squeeze %dma_start3A_75 : memref<1x64x128xf32, #tpu.memory_space<vmem>> -> memref<64x128xf32, #tpu.memory_space<vmem>>
    %dma_start3A_77 = arith.constant 448 : i32
    %dma_start3A_78 = tpu.memref_slice %arg5[%dma_start3A_77] : memref<6400xi32, #tpu.memory_space<vmem>> -> memref<64xi32, #tpu.memory_space<vmem>>
    %dma_start3A_79 = arith.constant 0 : i32
    %dma_start3A_80 = arith.constant 0 : i32
    %dma_start3A_81 = tpu.memref_slice %arg3[%dma_start3A_79, %dma_start3A_80] : memref<100000x128xf32, #tpu.memory_space<hbm>> -> memref<100000x128xf32, #tpu.memory_space<hbm>>
    tpu.enqueue_indirect_dma source(%dma_start3A_81 : memref<100000x128xf32, #tpu.memory_space<hbm>>) target(%dma_start3A_76 : memref<64x128xf32, #tpu.memory_space<vmem>>) offsets(%dma_start3A_78 : memref<64xi32, #tpu.memory_space<vmem>>) semaphore(%arg14 : memref<!tpu.dma_semaphore, #tpu.memory_space<semaphore_mem>>)
    %scan3A = arith.constant 0 : i32
    %scan3A_82 = arith.constant 12 : i32
    %scan3A_83 = arith.addi %scan3A, %scan3A_82 : i32
    %scan3A_84 = arith.constant 1 : i32
    scf.for %scan3A_136 = %scan3A to %scan3A_83 step %scan3A_84  : i32 {
      %mul3A_137 = arith.constant 8 : i32
      %mul3A_138 = arith.muli %scan3A_136, %mul3A_137 : i32
      %add3A_139 = arith.constant 0 : i32
      %add3A_140 = arith.addi %add3A_139, %mul3A_138 : i32
      %add3A_141 = arith.constant 0 : i32
      %add3A_142 = arith.addi %add3A_140, %add3A_141 : i32
      %mul3A_143 = arith.constant 64 : i32
      %mul3A_144 = arith.muli %add3A_142, %mul3A_143 : i32
      %dma_wait3A_145 = arith.constant 0 : i32
      %dma_wait3A_146 = arith.constant 0 : i32
      %dma_wait3A_147 = arith.constant 0 : i32
      %dma_wait3A_148 = tpu.memref_slice %arg6[%dma_wait3A_145, %dma_wait3A_146, %dma_wait3A_147] : memref<8x64x128xf32, #tpu.memory_space<vmem>> -> memref<1x64x128xf32, #tpu.memory_space<vmem>>
      %dma_wait3A_149 = tpu.memref_squeeze %dma_wait3A_148 : memref<1x64x128xf32, #tpu.memory_space<vmem>> -> memref<64x128xf32, #tpu.memory_space<vmem>>
      %dma_wait3A_150 = tpu.memref_slice %arg5[%mul3A_144] : memref<6400xi32, #tpu.memory_space<vmem>> -> memref<64xi32, #tpu.memory_space<vmem>>
      %dma_wait3A_151 = arith.constant 0 : i32
      %dma_wait3A_152 = arith.constant 0 : i32
      %dma_wait3A_153 = tpu.memref_slice %arg3[%dma_wait3A_151, %dma_wait3A_152] : memref<100000x128xf32, #tpu.memory_space<hbm>> -> memref<100000x128xf32, #tpu.memory_space<hbm>>
      tpu.wait_indirect_dma semaphore(%arg7 : memref<!tpu.dma_semaphore, #tpu.memory_space<semaphore_mem>>) src(%dma_wait3A_153 : memref<100000x128xf32, #tpu.memory_space<hbm>>) dst(%dma_wait3A_149 : memref<64x128xf32, #tpu.memory_space<vmem>>)
      %mul3A_154 = arith.constant 64 : i32
      %mul3A_155 = arith.muli %add3A_142, %mul3A_154 : i32
      %add3A_156 = arith.addi %mul3A_2, %mul3A_155 : i32
      %run_scoped3A_157 = arith.constant 0 : i32
      "tpu.region"() ({
        %run_scoped3A_330 = tpu.sem_alloc : memref<!tpu.dma_semaphore, #tpu.memory_space<semaphore_mem>>
        %dma_start3A_331 = arith.constant 0 : i32
        %dma_start3A_332 = arith.constant 0 : i32
        %dma_start3A_333 = tpu.memref_slice %arg6[%run_scoped3A_157, %dma_start3A_331, %dma_start3A_332] : memref<8x64x128xf32, #tpu.memory_space<vmem>> -> memref<1x64x128xf32, #tpu.memory_space<vmem>>
        %dma_start3A_334 = tpu.memref_squeeze %dma_start3A_333 : memref<1x64x128xf32, #tpu.memory_space<vmem>> -> memref<64x128xf32, #tpu.memory_space<vmem>>
        %dma_start3A_335 = arith.constant 0 : i32
        %dma_start3A_336 = tpu.memref_slice %arg4[%add3A_156, %dma_start3A_335] : memref<204800x128xf32, #tpu.memory_space<hbm>> -> memref<64x128xf32, #tpu.memory_space<hbm>>
        %dma_start3A_337 = arith.constant 0 : i32
        %dma_start3A_338 = tpu.memref_slice %arg4[%add3A_156, %dma_start3A_337] : memref<204800x128xf32, #tpu.memory_space<hbm>> -> memref<64x128xf32, #tpu.memory_space<hbm>>
        %dma_start3A_339 = arith.constant 0 : i32
        %dma_start3A_340 = arith.constant 0 : i32
        %dma_start3A_341 = tpu.memref_slice %arg6[%run_scoped3A_157, %dma_start3A_339, %dma_start3A_340] : memref<8x64x128xf32, #tpu.memory_space<vmem>> -> memref<1x64x128xf32, #tpu.memory_space<vmem>>
        %dma_start3A_342 = tpu.memref_squeeze %dma_start3A_341 : memref<1x64x128xf32, #tpu.memory_space<vmem>> -> memref<64x128xf32, #tpu.memory_space<vmem>>
        tpu.enqueue_dma source(%dma_start3A_342 : memref<64x128xf32, #tpu.memory_space<vmem>>) target(%dma_start3A_338 : memref<64x128xf32, #tpu.memory_space<hbm>>) target_semaphore(%run_scoped3A_330 : memref<!tpu.dma_semaphore, #tpu.memory_space<semaphore_mem>>)
        %dma_wait3A_343 = arith.constant 0 : i32
        %dma_wait3A_344 = arith.constant 0 : i32
        %dma_wait3A_345 = tpu.memref_slice %arg6[%run_scoped3A_157, %dma_wait3A_343, %dma_wait3A_344] : memref<8x64x128xf32, #tpu.memory_space<vmem>> -> memref<1x64x128xf32, #tpu.memory_space<vmem>>
        %dma_wait3A_346 = tpu.memref_squeeze %dma_wait3A_345 : memref<1x64x128xf32, #tpu.memory_space<vmem>> -> memref<64x128xf32, #tpu.memory_space<vmem>>
        %dma_wait3A_347 = arith.constant 0 : i32
        %dma_wait3A_348 = tpu.memref_slice %arg4[%add3A_156, %dma_wait3A_347] : memref<204800x128xf32, #tpu.memory_space<hbm>> -> memref<64x128xf32, #tpu.memory_space<hbm>>
        %dma_wait3A_349 = arith.constant 0 : i32
        %dma_wait3A_350 = tpu.memref_slice %arg4[%add3A_156, %dma_wait3A_349] : memref<204800x128xf32, #tpu.memory_space<hbm>> -> memref<64x128xf32, #tpu.memory_space<hbm>>
        %dma_wait3A_351 = arith.constant 0 : i32
        %dma_wait3A_352 = arith.constant 0 : i32
        %dma_wait3A_353 = tpu.memref_slice %arg6[%run_scoped3A_157, %dma_wait3A_351, %dma_wait3A_352] : memref<8x64x128xf32, #tpu.memory_space<vmem>> -> memref<1x64x128xf32, #tpu.memory_space<vmem>>
        %dma_wait3A_354 = tpu.memref_squeeze %dma_wait3A_353 : memref<1x64x128xf32, #tpu.memory_space<vmem>> -> memref<64x128xf32, #tpu.memory_space<vmem>>
        tpu.wait_dma2 semaphore(%run_scoped3A_330 : memref<!tpu.dma_semaphore, #tpu.memory_space<semaphore_mem>>) src(%dma_wait3A_354 : memref<64x128xf32, #tpu.memory_space<vmem>>) dst(%dma_wait3A_350 : memref<64x128xf32, #tpu.memory_space<hbm>>)
        tpu.yield
      }) : () -> ()
      %add3A_158 = arith.constant 8 : i32
      %add3A_159 = arith.addi %add3A_142, %add3A_158 : i32
      %lt3A = arith.constant 100 : i32
      %lt3A_160 = arith.cmpi slt, %add3A_159, %lt3A : i32
      %convert_element_type3A = arith.extui %lt3A_160 : i1 to i32
      %cond3A = arith.constant 0 : i32
      %cond3A_161 = arith.cmpi ne, %convert_element_type3A, %cond3A : i32
      scf.if %cond3A_161 {
        %mul3A_330 = arith.constant 64 : i32
        %mul3A_331 = arith.muli %add3A_159, %mul3A_330 : i32
        %dma_start3A_332 = arith.constant 0 : i32
        %dma_start3A_333 = arith.constant 0 : i32
        %dma_start3A_334 = arith.constant 0 : i32
        %dma_start3A_335 = tpu.memref_slice %arg6[%dma_start3A_332, %dma_start3A_333, %dma_start3A_334] : memref<8x64x128xf32, #tpu.memory_space<vmem>> -> memref<1x64x128xf32, #tpu.memory_space<vmem>>
        %dma_start3A_336 = tpu.memref_squeeze %dma_start3A_335 : memref<1x64x128xf32, #tpu.memory_space<vmem>> -> memref<64x128xf32, #tpu.memory_space<vmem>>
        %dma_start3A_337 = tpu.memref_slice %arg5[%mul3A_331] : memref<6400xi32, #tpu.memory_space<vmem>> -> memref<64xi32, #tpu.memory_space<vmem>>
        %dma_start3A_338 = arith.constant 0 : i32
        %dma_start3A_339 = arith.constant 0 : i32
        %dma_start3A_340 = tpu.memref_slice %arg3[%dma_start3A_338, %dma_start3A_339] : memref<100000x128xf32, #tpu.memory_space<hbm>> -> memref<100000x128xf32, #tpu.memory_space<hbm>>
        tpu.enqueue_indirect_dma source(%dma_start3A_340 : memref<100000x128xf32, #tpu.memory_space<hbm>>) target(%dma_start3A_336 : memref<64x128xf32, #tpu.memory_space<vmem>>) offsets(%dma_start3A_337 : memref<64xi32, #tpu.memory_space<vmem>>) semaphore(%arg7 : memref<!tpu.dma_semaphore, #tpu.memory_space<semaphore_mem>>)
      } else {
      }
      %add3A_162 = arith.constant 1 : i32
      %add3A_163 = arith.addi %add3A_140, %add3A_162 : i32
      %mul3A_164 = arith.constant 64 : i32
      %mul3A_165 = arith.muli %add3A_163, %mul3A_164 : i32
      %dma_wait3A_166 = arith.constant 1 : i32
      %dma_wait3A_167 = arith.constant 0 : i32
      %dma_wait3A_168 = arith.constant 0 : i32
      %dma_wait3A_169 = tpu.memref_slice %arg6[%dma_wait3A_166, %dma_wait3A_167, %dma_wait3A_168] : memref<8x64x128xf32, #tpu.memory_space<vmem>> -> memref<1x64x128xf32, #tpu.memory_space<vmem>>
      %dma_wait3A_170 = tpu.memref_squeeze %dma_wait3A_169 : memref<1x64x128xf32, #tpu.memory_space<vmem>> -> memref<64x128xf32, #tpu.memory_space<vmem>>
      %dma_wait3A_171 = tpu.memref_slice %arg5[%mul3A_165] : memref<6400xi32, #tpu.memory_space<vmem>> -> memref<64xi32, #tpu.memory_space<vmem>>
      %dma_wait3A_172 = arith.constant 0 : i32
      %dma_wait3A_173 = arith.constant 0 : i32
      %dma_wait3A_174 = tpu.memref_slice %arg3[%dma_wait3A_172, %dma_wait3A_173] : memref<100000x128xf32, #tpu.memory_space<hbm>> -> memref<100000x128xf32, #tpu.memory_space<hbm>>
      tpu.wait_indirect_dma semaphore(%arg8 : memref<!tpu.dma_semaphore, #tpu.memory_space<semaphore_mem>>) src(%dma_wait3A_174 : memref<100000x128xf32, #tpu.memory_space<hbm>>) dst(%dma_wait3A_170 : memref<64x128xf32, #tpu.memory_space<vmem>>)
      %mul3A_175 = arith.constant 64 : i32
      %mul3A_176 = arith.muli %add3A_163, %mul3A_175 : i32
      %add3A_177 = arith.addi %mul3A_2, %mul3A_176 : i32
      %run_scoped3A_178 = arith.constant 1 : i32
      "tpu.region"() ({
        %run_scoped3A_330 = tpu.sem_alloc : memref<!tpu.dma_semaphore, #tpu.memory_space<semaphore_mem>>
        %dma_start3A_331 = arith.constant 0 : i32
        %dma_start3A_332 = arith.constant 0 : i32
        %dma_start3A_333 = tpu.memref_slice %arg6[%run_scoped3A_178, %dma_start3A_331, %dma_start3A_332] : memref<8x64x128xf32, #tpu.memory_space<vmem>> -> memref<1x64x128xf32, #tpu.memory_space<vmem>>
        %dma_start3A_334 = tpu.memref_squeeze %dma_start3A_333 : memref<1x64x128xf32, #tpu.memory_space<vmem>> -> memref<64x128xf32, #tpu.memory_space<vmem>>
        %dma_start3A_335 = arith.constant 0 : i32
        %dma_start3A_336 = tpu.memref_slice %arg4[%add3A_177, %dma_start3A_335] : memref<204800x128xf32, #tpu.memory_space<hbm>> -> memref<64x128xf32, #tpu.memory_space<hbm>>
        %dma_start3A_337 = arith.constant 0 : i32
        %dma_start3A_338 = tpu.memref_slice %arg4[%add3A_177, %dma_start3A_337] : memref<204800x128xf32, #tpu.memory_space<hbm>> -> memref<64x128xf32, #tpu.memory_space<hbm>>
        %dma_start3A_339 = arith.constant 0 : i32
        %dma_start3A_340 = arith.constant 0 : i32
        %dma_start3A_341 = tpu.memref_slice %arg6[%run_scoped3A_178, %dma_start3A_339, %dma_start3A_340] : memref<8x64x128xf32, #tpu.memory_space<vmem>> -> memref<1x64x128xf32, #tpu.memory_space<vmem>>
        %dma_start3A_342 = tpu.memref_squeeze %dma_start3A_341 : memref<1x64x128xf32, #tpu.memory_space<vmem>> -> memref<64x128xf32, #tpu.memory_space<vmem>>
        tpu.enqueue_dma source(%dma_start3A_342 : memref<64x128xf32, #tpu.memory_space<vmem>>) target(%dma_start3A_338 : memref<64x128xf32, #tpu.memory_space<hbm>>) target_semaphore(%run_scoped3A_330 : memref<!tpu.dma_semaphore, #tpu.memory_space<semaphore_mem>>)
        %dma_wait3A_343 = arith.constant 0 : i32
        %dma_wait3A_344 = arith.constant 0 : i32
        %dma_wait3A_345 = tpu.memref_slice %arg6[%run_scoped3A_178, %dma_wait3A_343, %dma_wait3A_344] : memref<8x64x128xf32, #tpu.memory_space<vmem>> -> memref<1x64x128xf32, #tpu.memory_space<vmem>>
        %dma_wait3A_346 = tpu.memref_squeeze %dma_wait3A_345 : memref<1x64x128xf32, #tpu.memory_space<vmem>> -> memref<64x128xf32, #tpu.memory_space<vmem>>
        %dma_wait3A_347 = arith.constant 0 : i32
        %dma_wait3A_348 = tpu.memref_slice %arg4[%add3A_177, %dma_wait3A_347] : memref<204800x128xf32, #tpu.memory_space<hbm>> -> memref<64x128xf32, #tpu.memory_space<hbm>>
        %dma_wait3A_349 = arith.constant 0 : i32
        %dma_wait3A_350 = tpu.memref_slice %arg4[%add3A_177, %dma_wait3A_349] : memref<204800x128xf32, #tpu.memory_space<hbm>> -> memref<64x128xf32, #tpu.memory_space<hbm>>
        %dma_wait3A_351 = arith.constant 0 : i32
        %dma_wait3A_352 = arith.constant 0 : i32
        %dma_wait3A_353 = tpu.memref_slice %arg6[%run_scoped3A_178, %dma_wait3A_351, %dma_wait3A_352] : memref<8x64x128xf32, #tpu.memory_space<vmem>> -> memref<1x64x128xf32, #tpu.memory_space<vmem>>
        %dma_wait3A_354 = tpu.memref_squeeze %dma_wait3A_353 : memref<1x64x128xf32, #tpu.memory_space<vmem>> -> memref<64x128xf32, #tpu.memory_space<vmem>>
        tpu.wait_dma2 semaphore(%run_scoped3A_330 : memref<!tpu.dma_semaphore, #tpu.memory_space<semaphore_mem>>) src(%dma_wait3A_354 : memref<64x128xf32, #tpu.memory_space<vmem>>) dst(%dma_wait3A_350 : memref<64x128xf32, #tpu.memory_space<hbm>>)
        tpu.yield
      }) : () -> ()
      %add3A_179 = arith.constant 8 : i32
      %add3A_180 = arith.addi %add3A_163, %add3A_179 : i32
      %lt3A_181 = arith.constant 100 : i32
      %lt3A_182 = arith.cmpi slt, %add3A_180, %lt3A_181 : i32
      %convert_element_type3A_183 = arith.extui %lt3A_182 : i1 to i32
      %cond3A_184 = arith.constant 0 : i32
      %cond3A_185 = arith.cmpi ne, %convert_element_type3A_183, %cond3A_184 : i32
      scf.if %cond3A_185 {
        %mul3A_330 = arith.constant 64 : i32
        %mul3A_331 = arith.muli %add3A_180, %mul3A_330 : i32
        %dma_start3A_332 = arith.constant 1 : i32
        %dma_start3A_333 = arith.constant 0 : i32
        %dma_start3A_334 = arith.constant 0 : i32
        %dma_start3A_335 = tpu.memref_slice %arg6[%dma_start3A_332, %dma_start3A_333, %dma_start3A_334] : memref<8x64x128xf32, #tpu.memory_space<vmem>> -> memref<1x64x128xf32, #tpu.memory_space<vmem>>
        %dma_start3A_336 = tpu.memref_squeeze %dma_start3A_335 : memref<1x64x128xf32, #tpu.memory_space<vmem>> -> memref<64x128xf32, #tpu.memory_space<vmem>>
        %dma_start3A_337 = tpu.memref_slice %arg5[%mul3A_331] : memref<6400xi32, #tpu.memory_space<vmem>> -> memref<64xi32, #tpu.memory_space<vmem>>
        %dma_start3A_338 = arith.constant 0 : i32
        %dma_start3A_339 = arith.constant 0 : i32
        %dma_start3A_340 = tpu.memref_slice %arg3[%dma_start3A_338, %dma_start3A_339] : memref<100000x128xf32, #tpu.memory_space<hbm>> -> memref<100000x128xf32, #tpu.memory_space<hbm>>
        tpu.enqueue_indirect_dma source(%dma_start3A_340 : memref<100000x128xf32, #tpu.memory_space<hbm>>) target(%dma_start3A_336 : memref<64x128xf32, #tpu.memory_space<vmem>>) offsets(%dma_start3A_337 : memref<64xi32, #tpu.memory_space<vmem>>) semaphore(%arg8 : memref<!tpu.dma_semaphore, #tpu.memory_space<semaphore_mem>>)
      } else {
      }
      %add3A_186 = arith.constant 2 : i32
      %add3A_187 = arith.addi %add3A_140, %add3A_186 : i32
      %mul3A_188 = arith.constant 64 : i32
      %mul3A_189 = arith.muli %add3A_187, %mul3A_188 : i32
      %dma_wait3A_190 = arith.constant 2 : i32
      %dma_wait3A_191 = arith.constant 0 : i32
      %dma_wait3A_192 = arith.constant 0 : i32
      %dma_wait3A_193 = tpu.memref_slice %arg6[%dma_wait3A_190, %dma_wait3A_191, %dma_wait3A_192] : memref<8x64x128xf32, #tpu.memory_space<vmem>> -> memref<1x64x128xf32, #tpu.memory_space<vmem>>
      %dma_wait3A_194 = tpu.memref_squeeze %dma_wait3A_193 : memref<1x64x128xf32, #tpu.memory_space<vmem>> -> memref<64x128xf32, #tpu.memory_space<vmem>>
      %dma_wait3A_195 = tpu.memref_slice %arg5[%mul3A_189] : memref<6400xi32, #tpu.memory_space<vmem>> -> memref<64xi32, #tpu.memory_space<vmem>>
      %dma_wait3A_196 = arith.constant 0 : i32
      %dma_wait3A_197 = arith.constant 0 : i32
      %dma_wait3A_198 = tpu.memref_slice %arg3[%dma_wait3A_196, %dma_wait3A_197] : memref<100000x128xf32, #tpu.memory_space<hbm>> -> memref<100000x128xf32, #tpu.memory_space<hbm>>
      tpu.wait_indirect_dma semaphore(%arg9 : memref<!tpu.dma_semaphore, #tpu.memory_space<semaphore_mem>>) src(%dma_wait3A_198 : memref<100000x128xf32, #tpu.memory_space<hbm>>) dst(%dma_wait3A_194 : memref<64x128xf32, #tpu.memory_space<vmem>>)
      %mul3A_199 = arith.constant 64 : i32
      %mul3A_200 = arith.muli %add3A_187, %mul3A_199 : i32
      %add3A_201 = arith.addi %mul3A_2, %mul3A_200 : i32
      %run_scoped3A_202 = arith.constant 2 : i32
      "tpu.region"() ({
        %run_scoped3A_330 = tpu.sem_alloc : memref<!tpu.dma_semaphore, #tpu.memory_space<semaphore_mem>>
        %dma_start3A_331 = arith.constant 0 : i32
        %dma_start3A_332 = arith.constant 0 : i32
        %dma_start3A_333 = tpu.memref_slice %arg6[%run_scoped3A_202, %dma_start3A_331, %dma_start3A_332] : memref<8x64x128xf32, #tpu.memory_space<vmem>> -> memref<1x64x128xf32, #tpu.memory_space<vmem>>
        %dma_start3A_334 = tpu.memref_squeeze %dma_start3A_333 : memref<1x64x128xf32, #tpu.memory_space<vmem>> -> memref<64x128xf32, #tpu.memory_space<vmem>>
        %dma_start3A_335 = arith.constant 0 : i32
        %dma_start3A_336 = tpu.memref_slice %arg4[%add3A_201, %dma_start3A_335] : memref<204800x128xf32, #tpu.memory_space<hbm>> -> memref<64x128xf32, #tpu.memory_space<hbm>>
        %dma_start3A_337 = arith.constant 0 : i32
        %dma_start3A_338 = tpu.memref_slice %arg4[%add3A_201, %dma_start3A_337] : memref<204800x128xf32, #tpu.memory_space<hbm>> -> memref<64x128xf32, #tpu.memory_space<hbm>>
        %dma_start3A_339 = arith.constant 0 : i32
        %dma_start3A_340 = arith.constant 0 : i32
        %dma_start3A_341 = tpu.memref_slice %arg6[%run_scoped3A_202, %dma_start3A_339, %dma_start3A_340] : memref<8x64x128xf32, #tpu.memory_space<vmem>> -> memref<1x64x128xf32, #tpu.memory_space<vmem>>
        %dma_start3A_342 = tpu.memref_squeeze %dma_start3A_341 : memref<1x64x128xf32, #tpu.memory_space<vmem>> -> memref<64x128xf32, #tpu.memory_space<vmem>>
        tpu.enqueue_dma source(%dma_start3A_342 : memref<64x128xf32, #tpu.memory_space<vmem>>) target(%dma_start3A_338 : memref<64x128xf32, #tpu.memory_space<hbm>>) target_semaphore(%run_scoped3A_330 : memref<!tpu.dma_semaphore, #tpu.memory_space<semaphore_mem>>)
        %dma_wait3A_343 = arith.constant 0 : i32
        %dma_wait3A_344 = arith.constant 0 : i32
        %dma_wait3A_345 = tpu.memref_slice %arg6[%run_scoped3A_202, %dma_wait3A_343, %dma_wait3A_344] : memref<8x64x128xf32, #tpu.memory_space<vmem>> -> memref<1x64x128xf32, #tpu.memory_space<vmem>>
        %dma_wait3A_346 = tpu.memref_squeeze %dma_wait3A_345 : memref<1x64x128xf32, #tpu.memory_space<vmem>> -> memref<64x128xf32, #tpu.memory_space<vmem>>
        %dma_wait3A_347 = arith.constant 0 : i32
        %dma_wait3A_348 = tpu.memref_slice %arg4[%add3A_201, %dma_wait3A_347] : memref<204800x128xf32, #tpu.memory_space<hbm>> -> memref<64x128xf32, #tpu.memory_space<hbm>>
        %dma_wait3A_349 = arith.constant 0 : i32
        %dma_wait3A_350 = tpu.memref_slice %arg4[%add3A_201, %dma_wait3A_349] : memref<204800x128xf32, #tpu.memory_space<hbm>> -> memref<64x128xf32, #tpu.memory_space<hbm>>
        %dma_wait3A_351 = arith.constant 0 : i32
        %dma_wait3A_352 = arith.constant 0 : i32
        %dma_wait3A_353 = tpu.memref_slice %arg6[%run_scoped3A_202, %dma_wait3A_351, %dma_wait3A_352] : memref<8x64x128xf32, #tpu.memory_space<vmem>> -> memref<1x64x128xf32, #tpu.memory_space<vmem>>
        %dma_wait3A_354 = tpu.memref_squeeze %dma_wait3A_353 : memref<1x64x128xf32, #tpu.memory_space<vmem>> -> memref<64x128xf32, #tpu.memory_space<vmem>>
        tpu.wait_dma2 semaphore(%run_scoped3A_330 : memref<!tpu.dma_semaphore, #tpu.memory_space<semaphore_mem>>) src(%dma_wait3A_354 : memref<64x128xf32, #tpu.memory_space<vmem>>) dst(%dma_wait3A_350 : memref<64x128xf32, #tpu.memory_space<hbm>>)
        tpu.yield
      }) : () -> ()
      %add3A_203 = arith.constant 8 : i32
      %add3A_204 = arith.addi %add3A_187, %add3A_203 : i32
      %lt3A_205 = arith.constant 100 : i32
      %lt3A_206 = arith.cmpi slt, %add3A_204, %lt3A_205 : i32
      %convert_element_type3A_207 = arith.extui %lt3A_206 : i1 to i32
      %cond3A_208 = arith.constant 0 : i32
      %cond3A_209 = arith.cmpi ne, %convert_element_type3A_207, %cond3A_208 : i32
      scf.if %cond3A_209 {
        %mul3A_330 = arith.constant 64 : i32
        %mul3A_331 = arith.muli %add3A_204, %mul3A_330 : i32
        %dma_start3A_332 = arith.constant 2 : i32
        %dma_start3A_333 = arith.constant 0 : i32
        %dma_start3A_334 = arith.constant 0 : i32
        %dma_start3A_335 = tpu.memref_slice %arg6[%dma_start3A_332, %dma_start3A_333, %dma_start3A_334] : memref<8x64x128xf32, #tpu.memory_space<vmem>> -> memref<1x64x128xf32, #tpu.memory_space<vmem>>
        %dma_start3A_336 = tpu.memref_squeeze %dma_start3A_335 : memref<1x64x128xf32, #tpu.memory_space<vmem>> -> memref<64x128xf32, #tpu.memory_space<vmem>>
        %dma_start3A_337 = tpu.memref_slice %arg5[%mul3A_331] : memref<6400xi32, #tpu.memory_space<vmem>> -> memref<64xi32, #tpu.memory_space<vmem>>
        %dma_start3A_338 = arith.constant 0 : i32
        %dma_start3A_339 = arith.constant 0 : i32
        %dma_start3A_340 = tpu.memref_slice %arg3[%dma_start3A_338, %dma_start3A_339] : memref<100000x128xf32, #tpu.memory_space<hbm>> -> memref<100000x128xf32, #tpu.memory_space<hbm>>
        tpu.enqueue_indirect_dma source(%dma_start3A_340 : memref<100000x128xf32, #tpu.memory_space<hbm>>) target(%dma_start3A_336 : memref<64x128xf32, #tpu.memory_space<vmem>>) offsets(%dma_start3A_337 : memref<64xi32, #tpu.memory_space<vmem>>) semaphore(%arg9 : memref<!tpu.dma_semaphore, #tpu.memory_space<semaphore_mem>>)
      } else {
      }
      %add3A_210 = arith.constant 3 : i32
      %add3A_211 = arith.addi %add3A_140, %add3A_210 : i32
      %mul3A_212 = arith.constant 64 : i32
      %mul3A_213 = arith.muli %add3A_211, %mul3A_212 : i32
      %dma_wait3A_214 = arith.constant 3 : i32
      %dma_wait3A_215 = arith.constant 0 : i32
      %dma_wait3A_216 = arith.constant 0 : i32
      %dma_wait3A_217 = tpu.memref_slice %arg6[%dma_wait3A_214, %dma_wait3A_215, %dma_wait3A_216] : memref<8x64x128xf32, #tpu.memory_space<vmem>> -> memref<1x64x128xf32, #tpu.memory_space<vmem>>
      %dma_wait3A_218 = tpu.memref_squeeze %dma_wait3A_217 : memref<1x64x128xf32, #tpu.memory_space<vmem>> -> memref<64x128xf32, #tpu.memory_space<vmem>>
      %dma_wait3A_219 = tpu.memref_slice %arg5[%mul3A_213] : memref<6400xi32, #tpu.memory_space<vmem>> -> memref<64xi32, #tpu.memory_space<vmem>>
      %dma_wait3A_220 = arith.constant 0 : i32
      %dma_wait3A_221 = arith.constant 0 : i32
      %dma_wait3A_222 = tpu.memref_slice %arg3[%dma_wait3A_220, %dma_wait3A_221] : memref<100000x128xf32, #tpu.memory_space<hbm>> -> memref<100000x128xf32, #tpu.memory_space<hbm>>
      tpu.wait_indirect_dma semaphore(%arg10 : memref<!tpu.dma_semaphore, #tpu.memory_space<semaphore_mem>>) src(%dma_wait3A_222 : memref<100000x128xf32, #tpu.memory_space<hbm>>) dst(%dma_wait3A_218 : memref<64x128xf32, #tpu.memory_space<vmem>>)
      %mul3A_223 = arith.constant 64 : i32
      %mul3A_224 = arith.muli %add3A_211, %mul3A_223 : i32
      %add3A_225 = arith.addi %mul3A_2, %mul3A_224 : i32
      %run_scoped3A_226 = arith.constant 3 : i32
      "tpu.region"() ({
        %run_scoped3A_330 = tpu.sem_alloc : memref<!tpu.dma_semaphore, #tpu.memory_space<semaphore_mem>>
        %dma_start3A_331 = arith.constant 0 : i32
        %dma_start3A_332 = arith.constant 0 : i32
        %dma_start3A_333 = tpu.memref_slice %arg6[%run_scoped3A_226, %dma_start3A_331, %dma_start3A_332] : memref<8x64x128xf32, #tpu.memory_space<vmem>> -> memref<1x64x128xf32, #tpu.memory_space<vmem>>
        %dma_start3A_334 = tpu.memref_squeeze %dma_start3A_333 : memref<1x64x128xf32, #tpu.memory_space<vmem>> -> memref<64x128xf32, #tpu.memory_space<vmem>>
        %dma_start3A_335 = arith.constant 0 : i32
        %dma_start3A_336 = tpu.memref_slice %arg4[%add3A_225, %dma_start3A_335] : memref<204800x128xf32, #tpu.memory_space<hbm>> -> memref<64x128xf32, #tpu.memory_space<hbm>>
        %dma_start3A_337 = arith.constant 0 : i32
        %dma_start3A_338 = tpu.memref_slice %arg4[%add3A_225, %dma_start3A_337] : memref<204800x128xf32, #tpu.memory_space<hbm>> -> memref<64x128xf32, #tpu.memory_space<hbm>>
        %dma_start3A_339 = arith.constant 0 : i32
        %dma_start3A_340 = arith.constant 0 : i32
        %dma_start3A_341 = tpu.memref_slice %arg6[%run_scoped3A_226, %dma_start3A_339, %dma_start3A_340] : memref<8x64x128xf32, #tpu.memory_space<vmem>> -> memref<1x64x128xf32, #tpu.memory_space<vmem>>
        %dma_start3A_342 = tpu.memref_squeeze %dma_start3A_341 : memref<1x64x128xf32, #tpu.memory_space<vmem>> -> memref<64x128xf32, #tpu.memory_space<vmem>>
        tpu.enqueue_dma source(%dma_start3A_342 : memref<64x128xf32, #tpu.memory_space<vmem>>) target(%dma_start3A_338 : memref<64x128xf32, #tpu.memory_space<hbm>>) target_semaphore(%run_scoped3A_330 : memref<!tpu.dma_semaphore, #tpu.memory_space<semaphore_mem>>)
        %dma_wait3A_343 = arith.constant 0 : i32
        %dma_wait3A_344 = arith.constant 0 : i32
        %dma_wait3A_345 = tpu.memref_slice %arg6[%run_scoped3A_226, %dma_wait3A_343, %dma_wait3A_344] : memref<8x64x128xf32, #tpu.memory_space<vmem>> -> memref<1x64x128xf32, #tpu.memory_space<vmem>>
        %dma_wait3A_346 = tpu.memref_squeeze %dma_wait3A_345 : memref<1x64x128xf32, #tpu.memory_space<vmem>> -> memref<64x128xf32, #tpu.memory_space<vmem>>
        %dma_wait3A_347 = arith.constant 0 : i32
        %dma_wait3A_348 = tpu.memref_slice %arg4[%add3A_225, %dma_wait3A_347] : memref<204800x128xf32, #tpu.memory_space<hbm>> -> memref<64x128xf32, #tpu.memory_space<hbm>>
        %dma_wait3A_349 = arith.constant 0 : i32
        %dma_wait3A_350 = tpu.memref_slice %arg4[%add3A_225, %dma_wait3A_349] : memref<204800x128xf32, #tpu.memory_space<hbm>> -> memref<64x128xf32, #tpu.memory_space<hbm>>
        %dma_wait3A_351 = arith.constant 0 : i32
        %dma_wait3A_352 = arith.constant 0 : i32
        %dma_wait3A_353 = tpu.memref_slice %arg6[%run_scoped3A_226, %dma_wait3A_351, %dma_wait3A_352] : memref<8x64x128xf32, #tpu.memory_space<vmem>> -> memref<1x64x128xf32, #tpu.memory_space<vmem>>
        %dma_wait3A_354 = tpu.memref_squeeze %dma_wait3A_353 : memref<1x64x128xf32, #tpu.memory_space<vmem>> -> memref<64x128xf32, #tpu.memory_space<vmem>>
        tpu.wait_dma2 semaphore(%run_scoped3A_330 : memref<!tpu.dma_semaphore, #tpu.memory_space<semaphore_mem>>) src(%dma_wait3A_354 : memref<64x128xf32, #tpu.memory_space<vmem>>) dst(%dma_wait3A_350 : memref<64x128xf32, #tpu.memory_space<hbm>>)
        tpu.yield
      }) : () -> ()
      %add3A_227 = arith.constant 8 : i32
      %add3A_228 = arith.addi %add3A_211, %add3A_227 : i32
      %lt3A_229 = arith.constant 100 : i32
      %lt3A_230 = arith.cmpi slt, %add3A_228, %lt3A_229 : i32
      %convert_element_type3A_231 = arith.extui %lt3A_230 : i1 to i32
      %cond3A_232 = arith.constant 0 : i32
      %cond3A_233 = arith.cmpi ne, %convert_element_type3A_231, %cond3A_232 : i32
      scf.if %cond3A_233 {
        %mul3A_330 = arith.constant 64 : i32
        %mul3A_331 = arith.muli %add3A_228, %mul3A_330 : i32
        %dma_start3A_332 = arith.constant 3 : i32
        %dma_start3A_333 = arith.constant 0 : i32
        %dma_start3A_334 = arith.constant 0 : i32
        %dma_start3A_335 = tpu.memref_slice %arg6[%dma_start3A_332, %dma_start3A_333, %dma_start3A_334] : memref<8x64x128xf32, #tpu.memory_space<vmem>> -> memref<1x64x128xf32, #tpu.memory_space<vmem>>
        %dma_start3A_336 = tpu.memref_squeeze %dma_start3A_335 : memref<1x64x128xf32, #tpu.memory_space<vmem>> -> memref<64x128xf32, #tpu.memory_space<vmem>>
        %dma_start3A_337 = tpu.memref_slice %arg5[%mul3A_331] : memref<6400xi32, #tpu.memory_space<vmem>> -> memref<64xi32, #tpu.memory_space<vmem>>
        %dma_start3A_338 = arith.constant 0 : i32
        %dma_start3A_339 = arith.constant 0 : i32
        %dma_start3A_340 = tpu.memref_slice %arg3[%dma_start3A_338, %dma_start3A_339] : memref<100000x128xf32, #tpu.memory_space<hbm>> -> memref<100000x128xf32, #tpu.memory_space<hbm>>
        tpu.enqueue_indirect_dma source(%dma_start3A_340 : memref<100000x128xf32, #tpu.memory_space<hbm>>) target(%dma_start3A_336 : memref<64x128xf32, #tpu.memory_space<vmem>>) offsets(%dma_start3A_337 : memref<64xi32, #tpu.memory_space<vmem>>) semaphore(%arg10 : memref<!tpu.dma_semaphore, #tpu.memory_space<semaphore_mem>>)
      } else {
      }
      %add3A_234 = arith.constant 4 : i32
      %add3A_235 = arith.addi %add3A_140, %add3A_234 : i32
      %mul3A_236 = arith.constant 64 : i32
      %mul3A_237 = arith.muli %add3A_235, %mul3A_236 : i32
      %dma_wait3A_238 = arith.constant 4 : i32
      %dma_wait3A_239 = arith.constant 0 : i32
      %dma_wait3A_240 = arith.constant 0 : i32
      %dma_wait3A_241 = tpu.memref_slice %arg6[%dma_wait3A_238, %dma_wait3A_239, %dma_wait3A_240] : memref<8x64x128xf32, #tpu.memory_space<vmem>> -> memref<1x64x128xf32, #tpu.memory_space<vmem>>
      %dma_wait3A_242 = tpu.memref_squeeze %dma_wait3A_241 : memref<1x64x128xf32, #tpu.memory_space<vmem>> -> memref<64x128xf32, #tpu.memory_space<vmem>>
      %dma_wait3A_243 = tpu.memref_slice %arg5[%mul3A_237] : memref<6400xi32, #tpu.memory_space<vmem>> -> memref<64xi32, #tpu.memory_space<vmem>>
      %dma_wait3A_244 = arith.constant 0 : i32
      %dma_wait3A_245 = arith.constant 0 : i32
      %dma_wait3A_246 = tpu.memref_slice %arg3[%dma_wait3A_244, %dma_wait3A_245] : memref<100000x128xf32, #tpu.memory_space<hbm>> -> memref<100000x128xf32, #tpu.memory_space<hbm>>
      tpu.wait_indirect_dma semaphore(%arg11 : memref<!tpu.dma_semaphore, #tpu.memory_space<semaphore_mem>>) src(%dma_wait3A_246 : memref<100000x128xf32, #tpu.memory_space<hbm>>) dst(%dma_wait3A_242 : memref<64x128xf32, #tpu.memory_space<vmem>>)
      %mul3A_247 = arith.constant 64 : i32
      %mul3A_248 = arith.muli %add3A_235, %mul3A_247 : i32
      %add3A_249 = arith.addi %mul3A_2, %mul3A_248 : i32
      %run_scoped3A_250 = arith.constant 4 : i32
      "tpu.region"() ({
        %run_scoped3A_330 = tpu.sem_alloc : memref<!tpu.dma_semaphore, #tpu.memory_space<semaphore_mem>>
        %dma_start3A_331 = arith.constant 0 : i32
        %dma_start3A_332 = arith.constant 0 : i32
        %dma_start3A_333 = tpu.memref_slice %arg6[%run_scoped3A_250, %dma_start3A_331, %dma_start3A_332] : memref<8x64x128xf32, #tpu.memory_space<vmem>> -> memref<1x64x128xf32, #tpu.memory_space<vmem>>
        %dma_start3A_334 = tpu.memref_squeeze %dma_start3A_333 : memref<1x64x128xf32, #tpu.memory_space<vmem>> -> memref<64x128xf32, #tpu.memory_space<vmem>>
        %dma_start3A_335 = arith.constant 0 : i32
        %dma_start3A_336 = tpu.memref_slice %arg4[%add3A_249, %dma_start3A_335] : memref<204800x128xf32, #tpu.memory_space<hbm>> -> memref<64x128xf32, #tpu.memory_space<hbm>>
        %dma_start3A_337 = arith.constant 0 : i32
        %dma_start3A_338 = tpu.memref_slice %arg4[%add3A_249, %dma_start3A_337] : memref<204800x128xf32, #tpu.memory_space<hbm>> -> memref<64x128xf32, #tpu.memory_space<hbm>>
        %dma_start3A_339 = arith.constant 0 : i32
        %dma_start3A_340 = arith.constant 0 : i32
        %dma_start3A_341 = tpu.memref_slice %arg6[%run_scoped3A_250, %dma_start3A_339, %dma_start3A_340] : memref<8x64x128xf32, #tpu.memory_space<vmem>> -> memref<1x64x128xf32, #tpu.memory_space<vmem>>
        %dma_start3A_342 = tpu.memref_squeeze %dma_start3A_341 : memref<1x64x128xf32, #tpu.memory_space<vmem>> -> memref<64x128xf32, #tpu.memory_space<vmem>>
        tpu.enqueue_dma source(%dma_start3A_342 : memref<64x128xf32, #tpu.memory_space<vmem>>) target(%dma_start3A_338 : memref<64x128xf32, #tpu.memory_space<hbm>>) target_semaphore(%run_scoped3A_330 : memref<!tpu.dma_semaphore, #tpu.memory_space<semaphore_mem>>)
        %dma_wait3A_343 = arith.constant 0 : i32
        %dma_wait3A_344 = arith.constant 0 : i32
        %dma_wait3A_345 = tpu.memref_slice %arg6[%run_scoped3A_250, %dma_wait3A_343, %dma_wait3A_344] : memref<8x64x128xf32, #tpu.memory_space<vmem>> -> memref<1x64x128xf32, #tpu.memory_space<vmem>>
        %dma_wait3A_346 = tpu.memref_squeeze %dma_wait3A_345 : memref<1x64x128xf32, #tpu.memory_space<vmem>> -> memref<64x128xf32, #tpu.memory_space<vmem>>
        %dma_wait3A_347 = arith.constant 0 : i32
        %dma_wait3A_348 = tpu.memref_slice %arg4[%add3A_249, %dma_wait3A_347] : memref<204800x128xf32, #tpu.memory_space<hbm>> -> memref<64x128xf32, #tpu.memory_space<hbm>>
        %dma_wait3A_349 = arith.constant 0 : i32
        %dma_wait3A_350 = tpu.memref_slice %arg4[%add3A_249, %dma_wait3A_349] : memref<204800x128xf32, #tpu.memory_space<hbm>> -> memref<64x128xf32, #tpu.memory_space<hbm>>
        %dma_wait3A_351 = arith.constant 0 : i32
        %dma_wait3A_352 = arith.constant 0 : i32
        %dma_wait3A_353 = tpu.memref_slice %arg6[%run_scoped3A_250, %dma_wait3A_351, %dma_wait3A_352] : memref<8x64x128xf32, #tpu.memory_space<vmem>> -> memref<1x64x128xf32, #tpu.memory_space<vmem>>
        %dma_wait3A_354 = tpu.memref_squeeze %dma_wait3A_353 : memref<1x64x128xf32, #tpu.memory_space<vmem>> -> memref<64x128xf32, #tpu.memory_space<vmem>>
        tpu.wait_dma2 semaphore(%run_scoped3A_330 : memref<!tpu.dma_semaphore, #tpu.memory_space<semaphore_mem>>) src(%dma_wait3A_354 : memref<64x128xf32, #tpu.memory_space<vmem>>) dst(%dma_wait3A_350 : memref<64x128xf32, #tpu.memory_space<hbm>>)
        tpu.yield
      }) : () -> ()
      %add3A_251 = arith.constant 8 : i32
      %add3A_252 = arith.addi %add3A_235, %add3A_251 : i32
      %lt3A_253 = arith.constant 100 : i32
      %lt3A_254 = arith.cmpi slt, %add3A_252, %lt3A_253 : i32
      %convert_element_type3A_255 = arith.extui %lt3A_254 : i1 to i32
      %cond3A_256 = arith.constant 0 : i32
      %cond3A_257 = arith.cmpi ne, %convert_element_type3A_255, %cond3A_256 : i32
      scf.if %cond3A_257 {
        %mul3A_330 = arith.constant 64 : i32
        %mul3A_331 = arith.muli %add3A_252, %mul3A_330 : i32
        %dma_start3A_332 = arith.constant 4 : i32
        %dma_start3A_333 = arith.constant 0 : i32
        %dma_start3A_334 = arith.constant 0 : i32
        %dma_start3A_335 = tpu.memref_slice %arg6[%dma_start3A_332, %dma_start3A_333, %dma_start3A_334] : memref<8x64x128xf32, #tpu.memory_space<vmem>> -> memref<1x64x128xf32, #tpu.memory_space<vmem>>
        %dma_start3A_336 = tpu.memref_squeeze %dma_start3A_335 : memref<1x64x128xf32, #tpu.memory_space<vmem>> -> memref<64x128xf32, #tpu.memory_space<vmem>>
        %dma_start3A_337 = tpu.memref_slice %arg5[%mul3A_331] : memref<6400xi32, #tpu.memory_space<vmem>> -> memref<64xi32, #tpu.memory_space<vmem>>
        %dma_start3A_338 = arith.constant 0 : i32
        %dma_start3A_339 = arith.constant 0 : i32
        %dma_start3A_340 = tpu.memref_slice %arg3[%dma_start3A_338, %dma_start3A_339] : memref<100000x128xf32, #tpu.memory_space<hbm>> -> memref<100000x128xf32, #tpu.memory_space<hbm>>
        tpu.enqueue_indirect_dma source(%dma_start3A_340 : memref<100000x128xf32, #tpu.memory_space<hbm>>) target(%dma_start3A_336 : memref<64x128xf32, #tpu.memory_space<vmem>>) offsets(%dma_start3A_337 : memref<64xi32, #tpu.memory_space<vmem>>) semaphore(%arg11 : memref<!tpu.dma_semaphore, #tpu.memory_space<semaphore_mem>>)
      } else {
      }
      %add3A_258 = arith.constant 5 : i32
      %add3A_259 = arith.addi %add3A_140, %add3A_258 : i32
      %mul3A_260 = arith.constant 64 : i32
      %mul3A_261 = arith.muli %add3A_259, %mul3A_260 : i32
      %dma_wait3A_262 = arith.constant 5 : i32
      %dma_wait3A_263 = arith.constant 0 : i32
      %dma_wait3A_264 = arith.constant 0 : i32
      %dma_wait3A_265 = tpu.memref_slice %arg6[%dma_wait3A_262, %dma_wait3A_263, %dma_wait3A_264] : memref<8x64x128xf32, #tpu.memory_space<vmem>> -> memref<1x64x128xf32, #tpu.memory_space<vmem>>
      %dma_wait3A_266 = tpu.memref_squeeze %dma_wait3A_265 : memref<1x64x128xf32, #tpu.memory_space<vmem>> -> memref<64x128xf32, #tpu.memory_space<vmem>>
      %dma_wait3A_267 = tpu.memref_slice %arg5[%mul3A_261] : memref<6400xi32, #tpu.memory_space<vmem>> -> memref<64xi32, #tpu.memory_space<vmem>>
      %dma_wait3A_268 = arith.constant 0 : i32
      %dma_wait3A_269 = arith.constant 0 : i32
      %dma_wait3A_270 = tpu.memref_slice %arg3[%dma_wait3A_268, %dma_wait3A_269] : memref<100000x128xf32, #tpu.memory_space<hbm>> -> memref<100000x128xf32, #tpu.memory_space<hbm>>
      tpu.wait_indirect_dma semaphore(%arg12 : memref<!tpu.dma_semaphore, #tpu.memory_space<semaphore_mem>>) src(%dma_wait3A_270 : memref<100000x128xf32, #tpu.memory_space<hbm>>) dst(%dma_wait3A_266 : memref<64x128xf32, #tpu.memory_space<vmem>>)
      %mul3A_271 = arith.constant 64 : i32
      %mul3A_272 = arith.muli %add3A_259, %mul3A_271 : i32
      %add3A_273 = arith.addi %mul3A_2, %mul3A_272 : i32
      %run_scoped3A_274 = arith.constant 5 : i32
      "tpu.region"() ({
        %run_scoped3A_330 = tpu.sem_alloc : memref<!tpu.dma_semaphore, #tpu.memory_space<semaphore_mem>>
        %dma_start3A_331 = arith.constant 0 : i32
        %dma_start3A_332 = arith.constant 0 : i32
        %dma_start3A_333 = tpu.memref_slice %arg6[%run_scoped3A_274, %dma_start3A_331, %dma_start3A_332] : memref<8x64x128xf32, #tpu.memory_space<vmem>> -> memref<1x64x128xf32, #tpu.memory_space<vmem>>
        %dma_start3A_334 = tpu.memref_squeeze %dma_start3A_333 : memref<1x64x128xf32, #tpu.memory_space<vmem>> -> memref<64x128xf32, #tpu.memory_space<vmem>>
        %dma_start3A_335 = arith.constant 0 : i32
        %dma_start3A_336 = tpu.memref_slice %arg4[%add3A_273, %dma_start3A_335] : memref<204800x128xf32, #tpu.memory_space<hbm>> -> memref<64x128xf32, #tpu.memory_space<hbm>>
        %dma_start3A_337 = arith.constant 0 : i32
        %dma_start3A_338 = tpu.memref_slice %arg4[%add3A_273, %dma_start3A_337] : memref<204800x128xf32, #tpu.memory_space<hbm>> -> memref<64x128xf32, #tpu.memory_space<hbm>>
        %dma_start3A_339 = arith.constant 0 : i32
        %dma_start3A_340 = arith.constant 0 : i32
        %dma_start3A_341 = tpu.memref_slice %arg6[%run_scoped3A_274, %dma_start3A_339, %dma_start3A_340] : memref<8x64x128xf32, #tpu.memory_space<vmem>> -> memref<1x64x128xf32, #tpu.memory_space<vmem>>
        %dma_start3A_342 = tpu.memref_squeeze %dma_start3A_341 : memref<1x64x128xf32, #tpu.memory_space<vmem>> -> memref<64x128xf32, #tpu.memory_space<vmem>>
        tpu.enqueue_dma source(%dma_start3A_342 : memref<64x128xf32, #tpu.memory_space<vmem>>) target(%dma_start3A_338 : memref<64x128xf32, #tpu.memory_space<hbm>>) target_semaphore(%run_scoped3A_330 : memref<!tpu.dma_semaphore, #tpu.memory_space<semaphore_mem>>)
        %dma_wait3A_343 = arith.constant 0 : i32
        %dma_wait3A_344 = arith.constant 0 : i32
        %dma_wait3A_345 = tpu.memref_slice %arg6[%run_scoped3A_274, %dma_wait3A_343, %dma_wait3A_344] : memref<8x64x128xf32, #tpu.memory_space<vmem>> -> memref<1x64x128xf32, #tpu.memory_space<vmem>>
        %dma_wait3A_346 = tpu.memref_squeeze %dma_wait3A_345 : memref<1x64x128xf32, #tpu.memory_space<vmem>> -> memref<64x128xf32, #tpu.memory_space<vmem>>
        %dma_wait3A_347 = arith.constant 0 : i32
        %dma_wait3A_348 = tpu.memref_slice %arg4[%add3A_273, %dma_wait3A_347] : memref<204800x128xf32, #tpu.memory_space<hbm>> -> memref<64x128xf32, #tpu.memory_space<hbm>>
        %dma_wait3A_349 = arith.constant 0 : i32
        %dma_wait3A_350 = tpu.memref_slice %arg4[%add3A_273, %dma_wait3A_349] : memref<204800x128xf32, #tpu.memory_space<hbm>> -> memref<64x128xf32, #tpu.memory_space<hbm>>
        %dma_wait3A_351 = arith.constant 0 : i32
        %dma_wait3A_352 = arith.constant 0 : i32
        %dma_wait3A_353 = tpu.memref_slice %arg6[%run_scoped3A_274, %dma_wait3A_351, %dma_wait3A_352] : memref<8x64x128xf32, #tpu.memory_space<vmem>> -> memref<1x64x128xf32, #tpu.memory_space<vmem>>
        %dma_wait3A_354 = tpu.memref_squeeze %dma_wait3A_353 : memref<1x64x128xf32, #tpu.memory_space<vmem>> -> memref<64x128xf32, #tpu.memory_space<vmem>>
        tpu.wait_dma2 semaphore(%run_scoped3A_330 : memref<!tpu.dma_semaphore, #tpu.memory_space<semaphore_mem>>) src(%dma_wait3A_354 : memref<64x128xf32, #tpu.memory_space<vmem>>) dst(%dma_wait3A_350 : memref<64x128xf32, #tpu.memory_space<hbm>>)
        tpu.yield
      }) : () -> ()
      %add3A_275 = arith.constant 8 : i32
      %add3A_276 = arith.addi %add3A_259, %add3A_275 : i32
      %lt3A_277 = arith.constant 100 : i32
      %lt3A_278 = arith.cmpi slt, %add3A_276, %lt3A_277 : i32
      %convert_element_type3A_279 = arith.extui %lt3A_278 : i1 to i32
      %cond3A_280 = arith.constant 0 : i32
      %cond3A_281 = arith.cmpi ne, %convert_element_type3A_279, %cond3A_280 : i32
      scf.if %cond3A_281 {
        %mul3A_330 = arith.constant 64 : i32
        %mul3A_331 = arith.muli %add3A_276, %mul3A_330 : i32
        %dma_start3A_332 = arith.constant 5 : i32
        %dma_start3A_333 = arith.constant 0 : i32
        %dma_start3A_334 = arith.constant 0 : i32
        %dma_start3A_335 = tpu.memref_slice %arg6[%dma_start3A_332, %dma_start3A_333, %dma_start3A_334] : memref<8x64x128xf32, #tpu.memory_space<vmem>> -> memref<1x64x128xf32, #tpu.memory_space<vmem>>
        %dma_start3A_336 = tpu.memref_squeeze %dma_start3A_335 : memref<1x64x128xf32, #tpu.memory_space<vmem>> -> memref<64x128xf32, #tpu.memory_space<vmem>>
        %dma_start3A_337 = tpu.memref_slice %arg5[%mul3A_331] : memref<6400xi32, #tpu.memory_space<vmem>> -> memref<64xi32, #tpu.memory_space<vmem>>
        %dma_start3A_338 = arith.constant 0 : i32
        %dma_start3A_339 = arith.constant 0 : i32
        %dma_start3A_340 = tpu.memref_slice %arg3[%dma_start3A_338, %dma_start3A_339] : memref<100000x128xf32, #tpu.memory_space<hbm>> -> memref<100000x128xf32, #tpu.memory_space<hbm>>
        tpu.enqueue_indirect_dma source(%dma_start3A_340 : memref<100000x128xf32, #tpu.memory_space<hbm>>) target(%dma_start3A_336 : memref<64x128xf32, #tpu.memory_space<vmem>>) offsets(%dma_start3A_337 : memref<64xi32, #tpu.memory_space<vmem>>) semaphore(%arg12 : memref<!tpu.dma_semaphore, #tpu.memory_space<semaphore_mem>>)
      } else {
      }
      %add3A_282 = arith.constant 6 : i32
      %add3A_283 = arith.addi %add3A_140, %add3A_282 : i32
      %mul3A_284 = arith.constant 64 : i32
      %mul3A_285 = arith.muli %add3A_283, %mul3A_284 : i32
      %dma_wait3A_286 = arith.constant 6 : i32
      %dma_wait3A_287 = arith.constant 0 : i32
      %dma_wait3A_288 = arith.constant 0 : i32
      %dma_wait3A_289 = tpu.memref_slice %arg6[%dma_wait3A_286, %dma_wait3A_287, %dma_wait3A_288] : memref<8x64x128xf32, #tpu.memory_space<vmem>> -> memref<1x64x128xf32, #tpu.memory_space<vmem>>
      %dma_wait3A_290 = tpu.memref_squeeze %dma_wait3A_289 : memref<1x64x128xf32, #tpu.memory_space<vmem>> -> memref<64x128xf32, #tpu.memory_space<vmem>>
      %dma_wait3A_291 = tpu.memref_slice %arg5[%mul3A_285] : memref<6400xi32, #tpu.memory_space<vmem>> -> memref<64xi32, #tpu.memory_space<vmem>>
      %dma_wait3A_292 = arith.constant 0 : i32
      %dma_wait3A_293 = arith.constant 0 : i32
      %dma_wait3A_294 = tpu.memref_slice %arg3[%dma_wait3A_292, %dma_wait3A_293] : memref<100000x128xf32, #tpu.memory_space<hbm>> -> memref<100000x128xf32, #tpu.memory_space<hbm>>
      tpu.wait_indirect_dma semaphore(%arg13 : memref<!tpu.dma_semaphore, #tpu.memory_space<semaphore_mem>>) src(%dma_wait3A_294 : memref<100000x128xf32, #tpu.memory_space<hbm>>) dst(%dma_wait3A_290 : memref<64x128xf32, #tpu.memory_space<vmem>>)
      %mul3A_295 = arith.constant 64 : i32
      %mul3A_296 = arith.muli %add3A_283, %mul3A_295 : i32
      %add3A_297 = arith.addi %mul3A_2, %mul3A_296 : i32
      %run_scoped3A_298 = arith.constant 6 : i32
      "tpu.region"() ({
        %run_scoped3A_330 = tpu.sem_alloc : memref<!tpu.dma_semaphore, #tpu.memory_space<semaphore_mem>>
        %dma_start3A_331 = arith.constant 0 : i32
        %dma_start3A_332 = arith.constant 0 : i32
        %dma_start3A_333 = tpu.memref_slice %arg6[%run_scoped3A_298, %dma_start3A_331, %dma_start3A_332] : memref<8x64x128xf32, #tpu.memory_space<vmem>> -> memref<1x64x128xf32, #tpu.memory_space<vmem>>
        %dma_start3A_334 = tpu.memref_squeeze %dma_start3A_333 : memref<1x64x128xf32, #tpu.memory_space<vmem>> -> memref<64x128xf32, #tpu.memory_space<vmem>>
        %dma_start3A_335 = arith.constant 0 : i32
        %dma_start3A_336 = tpu.memref_slice %arg4[%add3A_297, %dma_start3A_335] : memref<204800x128xf32, #tpu.memory_space<hbm>> -> memref<64x128xf32, #tpu.memory_space<hbm>>
        %dma_start3A_337 = arith.constant 0 : i32
        %dma_start3A_338 = tpu.memref_slice %arg4[%add3A_297, %dma_start3A_337] : memref<204800x128xf32, #tpu.memory_space<hbm>> -> memref<64x128xf32, #tpu.memory_space<hbm>>
        %dma_start3A_339 = arith.constant 0 : i32
        %dma_start3A_340 = arith.constant 0 : i32
        %dma_start3A_341 = tpu.memref_slice %arg6[%run_scoped3A_298, %dma_start3A_339, %dma_start3A_340] : memref<8x64x128xf32, #tpu.memory_space<vmem>> -> memref<1x64x128xf32, #tpu.memory_space<vmem>>
        %dma_start3A_342 = tpu.memref_squeeze %dma_start3A_341 : memref<1x64x128xf32, #tpu.memory_space<vmem>> -> memref<64x128xf32, #tpu.memory_space<vmem>>
        tpu.enqueue_dma source(%dma_start3A_342 : memref<64x128xf32, #tpu.memory_space<vmem>>) target(%dma_start3A_338 : memref<64x128xf32, #tpu.memory_space<hbm>>) target_semaphore(%run_scoped3A_330 : memref<!tpu.dma_semaphore, #tpu.memory_space<semaphore_mem>>)
        %dma_wait3A_343 = arith.constant 0 : i32
        %dma_wait3A_344 = arith.constant 0 : i32
        %dma_wait3A_345 = tpu.memref_slice %arg6[%run_scoped3A_298, %dma_wait3A_343, %dma_wait3A_344] : memref<8x64x128xf32, #tpu.memory_space<vmem>> -> memref<1x64x128xf32, #tpu.memory_space<vmem>>
        %dma_wait3A_346 = tpu.memref_squeeze %dma_wait3A_345 : memref<1x64x128xf32, #tpu.memory_space<vmem>> -> memref<64x128xf32, #tpu.memory_space<vmem>>
        %dma_wait3A_347 = arith.constant 0 : i32
        %dma_wait3A_348 = tpu.memref_slice %arg4[%add3A_297, %dma_wait3A_347] : memref<204800x128xf32, #tpu.memory_space<hbm>> -> memref<64x128xf32, #tpu.memory_space<hbm>>
        %dma_wait3A_349 = arith.constant 0 : i32
        %dma_wait3A_350 = tpu.memref_slice %arg4[%add3A_297, %dma_wait3A_349] : memref<204800x128xf32, #tpu.memory_space<hbm>> -> memref<64x128xf32, #tpu.memory_space<hbm>>
        %dma_wait3A_351 = arith.constant 0 : i32
        %dma_wait3A_352 = arith.constant 0 : i32
        %dma_wait3A_353 = tpu.memref_slice %arg6[%run_scoped3A_298, %dma_wait3A_351, %dma_wait3A_352] : memref<8x64x128xf32, #tpu.memory_space<vmem>> -> memref<1x64x128xf32, #tpu.memory_space<vmem>>
        %dma_wait3A_354 = tpu.memref_squeeze %dma_wait3A_353 : memref<1x64x128xf32, #tpu.memory_space<vmem>> -> memref<64x128xf32, #tpu.memory_space<vmem>>
        tpu.wait_dma2 semaphore(%run_scoped3A_330 : memref<!tpu.dma_semaphore, #tpu.memory_space<semaphore_mem>>) src(%dma_wait3A_354 : memref<64x128xf32, #tpu.memory_space<vmem>>) dst(%dma_wait3A_350 : memref<64x128xf32, #tpu.memory_space<hbm>>)
        tpu.yield
      }) : () -> ()
      %add3A_299 = arith.constant 8 : i32
      %add3A_300 = arith.addi %add3A_283, %add3A_299 : i32
      %lt3A_301 = arith.constant 100 : i32
      %lt3A_302 = arith.cmpi slt, %add3A_300, %lt3A_301 : i32
      %convert_element_type3A_303 = arith.extui %lt3A_302 : i1 to i32
      %cond3A_304 = arith.constant 0 : i32
      %cond3A_305 = arith.cmpi ne, %convert_element_type3A_303, %cond3A_304 : i32
      scf.if %cond3A_305 {
        %mul3A_330 = arith.constant 64 : i32
        %mul3A_331 = arith.muli %add3A_300, %mul3A_330 : i32
        %dma_start3A_332 = arith.constant 6 : i32
        %dma_start3A_333 = arith.constant 0 : i32
        %dma_start3A_334 = arith.constant 0 : i32
        %dma_start3A_335 = tpu.memref_slice %arg6[%dma_start3A_332, %dma_start3A_333, %dma_start3A_334] : memref<8x64x128xf32, #tpu.memory_space<vmem>> -> memref<1x64x128xf32, #tpu.memory_space<vmem>>
        %dma_start3A_336 = tpu.memref_squeeze %dma_start3A_335 : memref<1x64x128xf32, #tpu.memory_space<vmem>> -> memref<64x128xf32, #tpu.memory_space<vmem>>
        %dma_start3A_337 = tpu.memref_slice %arg5[%mul3A_331] : memref<6400xi32, #tpu.memory_space<vmem>> -> memref<64xi32, #tpu.memory_space<vmem>>
        %dma_start3A_338 = arith.constant 0 : i32
        %dma_start3A_339 = arith.constant 0 : i32
        %dma_start3A_340 = tpu.memref_slice %arg3[%dma_start3A_338, %dma_start3A_339] : memref<100000x128xf32, #tpu.memory_space<hbm>> -> memref<100000x128xf32, #tpu.memory_space<hbm>>
        tpu.enqueue_indirect_dma source(%dma_start3A_340 : memref<100000x128xf32, #tpu.memory_space<hbm>>) target(%dma_start3A_336 : memref<64x128xf32, #tpu.memory_space<vmem>>) offsets(%dma_start3A_337 : memref<64xi32, #tpu.memory_space<vmem>>) semaphore(%arg13 : memref<!tpu.dma_semaphore, #tpu.memory_space<semaphore_mem>>)
      } else {
      }
      %add3A_306 = arith.constant 7 : i32
      %add3A_307 = arith.addi %add3A_140, %add3A_306 : i32
      %mul3A_308 = arith.constant 64 : i32
      %mul3A_309 = arith.muli %add3A_307, %mul3A_308 : i32
      %dma_wait3A_310 = arith.constant 7 : i32
      %dma_wait3A_311 = arith.constant 0 : i32
      %dma_wait3A_312 = arith.constant 0 : i32
      %dma_wait3A_313 = tpu.memref_slice %arg6[%dma_wait3A_310, %dma_wait3A_311, %dma_wait3A_312] : memref<8x64x128xf32, #tpu.memory_space<vmem>> -> memref<1x64x128xf32, #tpu.memory_space<vmem>>
      %dma_wait3A_314 = tpu.memref_squeeze %dma_wait3A_313 : memref<1x64x128xf32, #tpu.memory_space<vmem>> -> memref<64x128xf32, #tpu.memory_space<vmem>>
      %dma_wait3A_315 = tpu.memref_slice %arg5[%mul3A_309] : memref<6400xi32, #tpu.memory_space<vmem>> -> memref<64xi32, #tpu.memory_space<vmem>>
      %dma_wait3A_316 = arith.constant 0 : i32
      %dma_wait3A_317 = arith.constant 0 : i32
      %dma_wait3A_318 = tpu.memref_slice %arg3[%dma_wait3A_316, %dma_wait3A_317] : memref<100000x128xf32, #tpu.memory_space<hbm>> -> memref<100000x128xf32, #tpu.memory_space<hbm>>
      tpu.wait_indirect_dma semaphore(%arg14 : memref<!tpu.dma_semaphore, #tpu.memory_space<semaphore_mem>>) src(%dma_wait3A_318 : memref<100000x128xf32, #tpu.memory_space<hbm>>) dst(%dma_wait3A_314 : memref<64x128xf32, #tpu.memory_space<vmem>>)
      %mul3A_319 = arith.constant 64 : i32
      %mul3A_320 = arith.muli %add3A_307, %mul3A_319 : i32
      %add3A_321 = arith.addi %mul3A_2, %mul3A_320 : i32
      %run_scoped3A_322 = arith.constant 7 : i32
      "tpu.region"() ({
        %run_scoped3A_330 = tpu.sem_alloc : memref<!tpu.dma_semaphore, #tpu.memory_space<semaphore_mem>>
        %dma_start3A_331 = arith.constant 0 : i32
        %dma_start3A_332 = arith.constant 0 : i32
        %dma_start3A_333 = tpu.memref_slice %arg6[%run_scoped3A_322, %dma_start3A_331, %dma_start3A_332] : memref<8x64x128xf32, #tpu.memory_space<vmem>> -> memref<1x64x128xf32, #tpu.memory_space<vmem>>
        %dma_start3A_334 = tpu.memref_squeeze %dma_start3A_333 : memref<1x64x128xf32, #tpu.memory_space<vmem>> -> memref<64x128xf32, #tpu.memory_space<vmem>>
        %dma_start3A_335 = arith.constant 0 : i32
        %dma_start3A_336 = tpu.memref_slice %arg4[%add3A_321, %dma_start3A_335] : memref<204800x128xf32, #tpu.memory_space<hbm>> -> memref<64x128xf32, #tpu.memory_space<hbm>>
        %dma_start3A_337 = arith.constant 0 : i32
        %dma_start3A_338 = tpu.memref_slice %arg4[%add3A_321, %dma_start3A_337] : memref<204800x128xf32, #tpu.memory_space<hbm>> -> memref<64x128xf32, #tpu.memory_space<hbm>>
        %dma_start3A_339 = arith.constant 0 : i32
        %dma_start3A_340 = arith.constant 0 : i32
        %dma_start3A_341 = tpu.memref_slice %arg6[%run_scoped3A_322, %dma_start3A_339, %dma_start3A_340] : memref<8x64x128xf32, #tpu.memory_space<vmem>> -> memref<1x64x128xf32, #tpu.memory_space<vmem>>
        %dma_start3A_342 = tpu.memref_squeeze %dma_start3A_341 : memref<1x64x128xf32, #tpu.memory_space<vmem>> -> memref<64x128xf32, #tpu.memory_space<vmem>>
        tpu.enqueue_dma source(%dma_start3A_342 : memref<64x128xf32, #tpu.memory_space<vmem>>) target(%dma_start3A_338 : memref<64x128xf32, #tpu.memory_space<hbm>>) target_semaphore(%run_scoped3A_330 : memref<!tpu.dma_semaphore, #tpu.memory_space<semaphore_mem>>)
        %dma_wait3A_343 = arith.constant 0 : i32
        %dma_wait3A_344 = arith.constant 0 : i32
        %dma_wait3A_345 = tpu.memref_slice %arg6[%run_scoped3A_322, %dma_wait3A_343, %dma_wait3A_344] : memref<8x64x128xf32, #tpu.memory_space<vmem>> -> memref<1x64x128xf32, #tpu.memory_space<vmem>>
        %dma_wait3A_346 = tpu.memref_squeeze %dma_wait3A_345 : memref<1x64x128xf32, #tpu.memory_space<vmem>> -> memref<64x128xf32, #tpu.memory_space<vmem>>
        %dma_wait3A_347 = arith.constant 0 : i32
        %dma_wait3A_348 = tpu.memref_slice %arg4[%add3A_321, %dma_wait3A_347] : memref<204800x128xf32, #tpu.memory_space<hbm>> -> memref<64x128xf32, #tpu.memory_space<hbm>>
        %dma_wait3A_349 = arith.constant 0 : i32
        %dma_wait3A_350 = tpu.memref_slice %arg4[%add3A_321, %dma_wait3A_349] : memref<204800x128xf32, #tpu.memory_space<hbm>> -> memref<64x128xf32, #tpu.memory_space<hbm>>
        %dma_wait3A_351 = arith.constant 0 : i32
        %dma_wait3A_352 = arith.constant 0 : i32
        %dma_wait3A_353 = tpu.memref_slice %arg6[%run_scoped3A_322, %dma_wait3A_351, %dma_wait3A_352] : memref<8x64x128xf32, #tpu.memory_space<vmem>> -> memref<1x64x128xf32, #tpu.memory_space<vmem>>
        %dma_wait3A_354 = tpu.memref_squeeze %dma_wait3A_353 : memref<1x64x128xf32, #tpu.memory_space<vmem>> -> memref<64x128xf32, #tpu.memory_space<vmem>>
        tpu.wait_dma2 semaphore(%run_scoped3A_330 : memref<!tpu.dma_semaphore, #tpu.memory_space<semaphore_mem>>) src(%dma_wait3A_354 : memref<64x128xf32, #tpu.memory_space<vmem>>) dst(%dma_wait3A_350 : memref<64x128xf32, #tpu.memory_space<hbm>>)
        tpu.yield
      }) : () -> ()
      %add3A_323 = arith.constant 8 : i32
      %add3A_324 = arith.addi %add3A_307, %add3A_323 : i32
      %lt3A_325 = arith.constant 100 : i32
      %lt3A_326 = arith.cmpi slt, %add3A_324, %lt3A_325 : i32
      %convert_element_type3A_327 = arith.extui %lt3A_326 : i1 to i32
      %cond3A_328 = arith.constant 0 : i32
      %cond3A_329 = arith.cmpi ne, %convert_element_type3A_327, %cond3A_328 : i32
      scf.if %cond3A_329 {
        %mul3A_330 = arith.constant 64 : i32
        %mul3A_331 = arith.muli %add3A_324, %mul3A_330 : i32
        %dma_start3A_332 = arith.constant 7 : i32
        %dma_start3A_333 = arith.constant 0 : i32
        %dma_start3A_334 = arith.constant 0 : i32
        %dma_start3A_335 = tpu.memref_slice %arg6[%dma_start3A_332, %dma_start3A_333, %dma_start3A_334] : memref<8x64x128xf32, #tpu.memory_space<vmem>> -> memref<1x64x128xf32, #tpu.memory_space<vmem>>
        %dma_start3A_336 = tpu.memref_squeeze %dma_start3A_335 : memref<1x64x128xf32, #tpu.memory_space<vmem>> -> memref<64x128xf32, #tpu.memory_space<vmem>>
        %dma_start3A_337 = tpu.memref_slice %arg5[%mul3A_331] : memref<6400xi32, #tpu.memory_space<vmem>> -> memref<64xi32, #tpu.memory_space<vmem>>
        %dma_start3A_338 = arith.constant 0 : i32
        %dma_start3A_339 = arith.constant 0 : i32
        %dma_start3A_340 = tpu.memref_slice %arg3[%dma_start3A_338, %dma_start3A_339] : memref<100000x128xf32, #tpu.memory_space<hbm>> -> memref<100000x128xf32, #tpu.memory_space<hbm>>
        tpu.enqueue_indirect_dma source(%dma_start3A_340 : memref<100000x128xf32, #tpu.memory_space<hbm>>) target(%dma_start3A_336 : memref<64x128xf32, #tpu.memory_space<vmem>>) offsets(%dma_start3A_337 : memref<64xi32, #tpu.memory_space<vmem>>) semaphore(%arg14 : memref<!tpu.dma_semaphore, #tpu.memory_space<semaphore_mem>>)
      } else {
      }
    }
    %scan3A_85 = arith.constant 12 : i32
    %dma_wait3A = arith.constant 0 : i32
    %dma_wait3A_86 = arith.constant 0 : i32
    %dma_wait3A_87 = arith.constant 0 : i32
    %dma_wait3A_88 = tpu.memref_slice %arg6[%dma_wait3A, %dma_wait3A_86, %dma_wait3A_87] : memref<8x64x128xf32, #tpu.memory_space<vmem>> -> memref<1x64x128xf32, #tpu.memory_space<vmem>>
    %dma_wait3A_89 = tpu.memref_squeeze %dma_wait3A_88 : memref<1x64x128xf32, #tpu.memory_space<vmem>> -> memref<64x128xf32, #tpu.memory_space<vmem>>
    %dma_wait3A_90 = arith.constant 6144 : i32
    %dma_wait3A_91 = tpu.memref_slice %arg5[%dma_wait3A_90] : memref<6400xi32, #tpu.memory_space<vmem>> -> memref<64xi32, #tpu.memory_space<vmem>>
    %dma_wait3A_92 = arith.constant 0 : i32
    %dma_wait3A_93 = arith.constant 0 : i32
    %dma_wait3A_94 = tpu.memref_slice %arg3[%dma_wait3A_92, %dma_wait3A_93] : memref<100000x128xf32, #tpu.memory_space<hbm>> -> memref<100000x128xf32, #tpu.memory_space<hbm>>
    tpu.wait_indirect_dma semaphore(%arg7 : memref<!tpu.dma_semaphore, #tpu.memory_space<semaphore_mem>>) src(%dma_wait3A_94 : memref<100000x128xf32, #tpu.memory_space<hbm>>) dst(%dma_wait3A_89 : memref<64x128xf32, #tpu.memory_space<vmem>>)
    %add3A_95 = arith.constant 6144 : i32
    %add3A_96 = arith.addi %mul3A_2, %add3A_95 : i32
    %run_scoped3A = arith.constant 0 : i32
    "tpu.region"() ({
      %run_scoped3A_136 = tpu.sem_alloc : memref<!tpu.dma_semaphore, #tpu.memory_space<semaphore_mem>>
      %dma_start3A_137 = arith.constant 0 : i32
      %dma_start3A_138 = arith.constant 0 : i32
      %dma_start3A_139 = tpu.memref_slice %arg6[%run_scoped3A, %dma_start3A_137, %dma_start3A_138] : memref<8x64x128xf32, #tpu.memory_space<vmem>> -> memref<1x64x128xf32, #tpu.memory_space<vmem>>
      %dma_start3A_140 = tpu.memref_squeeze %dma_start3A_139 : memref<1x64x128xf32, #tpu.memory_space<vmem>> -> memref<64x128xf32, #tpu.memory_space<vmem>>
      %dma_start3A_141 = arith.constant 0 : i32
      %dma_start3A_142 = tpu.memref_slice %arg4[%add3A_96, %dma_start3A_141] : memref<204800x128xf32, #tpu.memory_space<hbm>> -> memref<64x128xf32, #tpu.memory_space<hbm>>
      %dma_start3A_143 = arith.constant 0 : i32
      %dma_start3A_144 = tpu.memref_slice %arg4[%add3A_96, %dma_start3A_143] : memref<204800x128xf32, #tpu.memory_space<hbm>> -> memref<64x128xf32, #tpu.memory_space<hbm>>
      %dma_start3A_145 = arith.constant 0 : i32
      %dma_start3A_146 = arith.constant 0 : i32
      %dma_start3A_147 = tpu.memref_slice %arg6[%run_scoped3A, %dma_start3A_145, %dma_start3A_146] : memref<8x64x128xf32, #tpu.memory_space<vmem>> -> memref<1x64x128xf32, #tpu.memory_space<vmem>>
      %dma_start3A_148 = tpu.memref_squeeze %dma_start3A_147 : memref<1x64x128xf32, #tpu.memory_space<vmem>> -> memref<64x128xf32, #tpu.memory_space<vmem>>
      tpu.enqueue_dma source(%dma_start3A_148 : memref<64x128xf32, #tpu.memory_space<vmem>>) target(%dma_start3A_144 : memref<64x128xf32, #tpu.memory_space<hbm>>) target_semaphore(%run_scoped3A_136 : memref<!tpu.dma_semaphore, #tpu.memory_space<semaphore_mem>>)
      %dma_wait3A_149 = arith.constant 0 : i32
      %dma_wait3A_150 = arith.constant 0 : i32
      %dma_wait3A_151 = tpu.memref_slice %arg6[%run_scoped3A, %dma_wait3A_149, %dma_wait3A_150] : memref<8x64x128xf32, #tpu.memory_space<vmem>> -> memref<1x64x128xf32, #tpu.memory_space<vmem>>
      %dma_wait3A_152 = tpu.memref_squeeze %dma_wait3A_151 : memref<1x64x128xf32, #tpu.memory_space<vmem>> -> memref<64x128xf32, #tpu.memory_space<vmem>>
      %dma_wait3A_153 = arith.constant 0 : i32
      %dma_wait3A_154 = tpu.memref_slice %arg4[%add3A_96, %dma_wait3A_153] : memref<204800x128xf32, #tpu.memory_space<hbm>> -> memref<64x128xf32, #tpu.memory_space<hbm>>
      %dma_wait3A_155 = arith.constant 0 : i32
      %dma_wait3A_156 = tpu.memref_slice %arg4[%add3A_96, %dma_wait3A_155] : memref<204800x128xf32, #tpu.memory_space<hbm>> -> memref<64x128xf32, #tpu.memory_space<hbm>>
      %dma_wait3A_157 = arith.constant 0 : i32
      %dma_wait3A_158 = arith.constant 0 : i32
      %dma_wait3A_159 = tpu.memref_slice %arg6[%run_scoped3A, %dma_wait3A_157, %dma_wait3A_158] : memref<8x64x128xf32, #tpu.memory_space<vmem>> -> memref<1x64x128xf32, #tpu.memory_space<vmem>>
      %dma_wait3A_160 = tpu.memref_squeeze %dma_wait3A_159 : memref<1x64x128xf32, #tpu.memory_space<vmem>> -> memref<64x128xf32, #tpu.memory_space<vmem>>
      tpu.wait_dma2 semaphore(%run_scoped3A_136 : memref<!tpu.dma_semaphore, #tpu.memory_space<semaphore_mem>>) src(%dma_wait3A_160 : memref<64x128xf32, #tpu.memory_space<vmem>>) dst(%dma_wait3A_156 : memref<64x128xf32, #tpu.memory_space<hbm>>)
      tpu.yield
    }) : () -> ()
    %dma_wait3A_97 = arith.constant 1 : i32
    %dma_wait3A_98 = arith.constant 0 : i32
    %dma_wait3A_99 = arith.constant 0 : i32
    %dma_wait3A_100 = tpu.memref_slice %arg6[%dma_wait3A_97, %dma_wait3A_98, %dma_wait3A_99] : memref<8x64x128xf32, #tpu.memory_space<vmem>> -> memref<1x64x128xf32, #tpu.memory_space<vmem>>
    %dma_wait3A_101 = tpu.memref_squeeze %dma_wait3A_100 : memref<1x64x128xf32, #tpu.memory_space<vmem>> -> memref<64x128xf32, #tpu.memory_space<vmem>>
    %dma_wait3A_102 = arith.constant 6208 : i32
    %dma_wait3A_103 = tpu.memref_slice %arg5[%dma_wait3A_102] : memref<6400xi32, #tpu.memory_space<vmem>> -> memref<64xi32, #tpu.memory_space<vmem>>
    %dma_wait3A_104 = arith.constant 0 : i32
    %dma_wait3A_105 = arith.constant 0 : i32
    %dma_wait3A_106 = tpu.memref_slice %arg3[%dma_wait3A_104, %dma_wait3A_105] : memref<100000x128xf32, #tpu.memory_space<hbm>> -> memref<100000x128xf32, #tpu.memory_space<hbm>>
    tpu.wait_indirect_dma semaphore(%arg8 : memref<!tpu.dma_semaphore, #tpu.memory_space<semaphore_mem>>) src(%dma_wait3A_106 : memref<100000x128xf32, #tpu.memory_space<hbm>>) dst(%dma_wait3A_101 : memref<64x128xf32, #tpu.memory_space<vmem>>)
    %add3A_107 = arith.constant 6208 : i32
    %add3A_108 = arith.addi %mul3A_2, %add3A_107 : i32
    %run_scoped3A_109 = arith.constant 1 : i32
    "tpu.region"() ({
      %run_scoped3A_136 = tpu.sem_alloc : memref<!tpu.dma_semaphore, #tpu.memory_space<semaphore_mem>>
      %dma_start3A_137 = arith.constant 0 : i32
      %dma_start3A_138 = arith.constant 0 : i32
      %dma_start3A_139 = tpu.memref_slice %arg6[%run_scoped3A_109, %dma_start3A_137, %dma_start3A_138] : memref<8x64x128xf32, #tpu.memory_space<vmem>> -> memref<1x64x128xf32, #tpu.memory_space<vmem>>
      %dma_start3A_140 = tpu.memref_squeeze %dma_start3A_139 : memref<1x64x128xf32, #tpu.memory_space<vmem>> -> memref<64x128xf32, #tpu.memory_space<vmem>>
      %dma_start3A_141 = arith.constant 0 : i32
      %dma_start3A_142 = tpu.memref_slice %arg4[%add3A_108, %dma_start3A_141] : memref<204800x128xf32, #tpu.memory_space<hbm>> -> memref<64x128xf32, #tpu.memory_space<hbm>>
      %dma_start3A_143 = arith.constant 0 : i32
      %dma_start3A_144 = tpu.memref_slice %arg4[%add3A_108, %dma_start3A_143] : memref<204800x128xf32, #tpu.memory_space<hbm>> -> memref<64x128xf32, #tpu.memory_space<hbm>>
      %dma_start3A_145 = arith.constant 0 : i32
      %dma_start3A_146 = arith.constant 0 : i32
      %dma_start3A_147 = tpu.memref_slice %arg6[%run_scoped3A_109, %dma_start3A_145, %dma_start3A_146] : memref<8x64x128xf32, #tpu.memory_space<vmem>> -> memref<1x64x128xf32, #tpu.memory_space<vmem>>
      %dma_start3A_148 = tpu.memref_squeeze %dma_start3A_147 : memref<1x64x128xf32, #tpu.memory_space<vmem>> -> memref<64x128xf32, #tpu.memory_space<vmem>>
      tpu.enqueue_dma source(%dma_start3A_148 : memref<64x128xf32, #tpu.memory_space<vmem>>) target(%dma_start3A_144 : memref<64x128xf32, #tpu.memory_space<hbm>>) target_semaphore(%run_scoped3A_136 : memref<!tpu.dma_semaphore, #tpu.memory_space<semaphore_mem>>)
      %dma_wait3A_149 = arith.constant 0 : i32
      %dma_wait3A_150 = arith.constant 0 : i32
      %dma_wait3A_151 = tpu.memref_slice %arg6[%run_scoped3A_109, %dma_wait3A_149, %dma_wait3A_150] : memref<8x64x128xf32, #tpu.memory_space<vmem>> -> memref<1x64x128xf32, #tpu.memory_space<vmem>>
      %dma_wait3A_152 = tpu.memref_squeeze %dma_wait3A_151 : memref<1x64x128xf32, #tpu.memory_space<vmem>> -> memref<64x128xf32, #tpu.memory_space<vmem>>
      %dma_wait3A_153 = arith.constant 0 : i32
      %dma_wait3A_154 = tpu.memref_slice %arg4[%add3A_108, %dma_wait3A_153] : memref<204800x128xf32, #tpu.memory_space<hbm>> -> memref<64x128xf32, #tpu.memory_space<hbm>>
      %dma_wait3A_155 = arith.constant 0 : i32
      %dma_wait3A_156 = tpu.memref_slice %arg4[%add3A_108, %dma_wait3A_155] : memref<204800x128xf32, #tpu.memory_space<hbm>> -> memref<64x128xf32, #tpu.memory_space<hbm>>
      %dma_wait3A_157 = arith.constant 0 : i32
      %dma_wait3A_158 = arith.constant 0 : i32
      %dma_wait3A_159 = tpu.memref_slice %arg6[%run_scoped3A_109, %dma_wait3A_157, %dma_wait3A_158] : memref<8x64x128xf32, #tpu.memory_space<vmem>> -> memref<1x64x128xf32, #tpu.memory_space<vmem>>
      %dma_wait3A_160 = tpu.memref_squeeze %dma_wait3A_159 : memref<1x64x128xf32, #tpu.memory_space<vmem>> -> memref<64x128xf32, #tpu.memory_space<vmem>>
      tpu.wait_dma2 semaphore(%run_scoped3A_136 : memref<!tpu.dma_semaphore, #tpu.memory_space<semaphore_mem>>) src(%dma_wait3A_160 : memref<64x128xf32, #tpu.memory_space<vmem>>) dst(%dma_wait3A_156 : memref<64x128xf32, #tpu.memory_space<hbm>>)
      tpu.yield
    }) : () -> ()
    %dma_wait3A_110 = arith.constant 2 : i32
    %dma_wait3A_111 = arith.constant 0 : i32
    %dma_wait3A_112 = arith.constant 0 : i32
    %dma_wait3A_113 = tpu.memref_slice %arg6[%dma_wait3A_110, %dma_wait3A_111, %dma_wait3A_112] : memref<8x64x128xf32, #tpu.memory_space<vmem>> -> memref<1x64x128xf32, #tpu.memory_space<vmem>>
    %dma_wait3A_114 = tpu.memref_squeeze %dma_wait3A_113 : memref<1x64x128xf32, #tpu.memory_space<vmem>> -> memref<64x128xf32, #tpu.memory_space<vmem>>
    %dma_wait3A_115 = arith.constant 6272 : i32
    %dma_wait3A_116 = tpu.memref_slice %arg5[%dma_wait3A_115] : memref<6400xi32, #tpu.memory_space<vmem>> -> memref<64xi32, #tpu.memory_space<vmem>>
    %dma_wait3A_117 = arith.constant 0 : i32
    %dma_wait3A_118 = arith.constant 0 : i32
    %dma_wait3A_119 = tpu.memref_slice %arg3[%dma_wait3A_117, %dma_wait3A_118] : memref<100000x128xf32, #tpu.memory_space<hbm>> -> memref<100000x128xf32, #tpu.memory_space<hbm>>
    tpu.wait_indirect_dma semaphore(%arg9 : memref<!tpu.dma_semaphore, #tpu.memory_space<semaphore_mem>>) src(%dma_wait3A_119 : memref<100000x128xf32, #tpu.memory_space<hbm>>) dst(%dma_wait3A_114 : memref<64x128xf32, #tpu.memory_space<vmem>>)
    %add3A_120 = arith.constant 6272 : i32
    %add3A_121 = arith.addi %mul3A_2, %add3A_120 : i32
    %run_scoped3A_122 = arith.constant 2 : i32
    "tpu.region"() ({
      %run_scoped3A_136 = tpu.sem_alloc : memref<!tpu.dma_semaphore, #tpu.memory_space<semaphore_mem>>
      %dma_start3A_137 = arith.constant 0 : i32
      %dma_start3A_138 = arith.constant 0 : i32
      %dma_start3A_139 = tpu.memref_slice %arg6[%run_scoped3A_122, %dma_start3A_137, %dma_start3A_138] : memref<8x64x128xf32, #tpu.memory_space<vmem>> -> memref<1x64x128xf32, #tpu.memory_space<vmem>>
      %dma_start3A_140 = tpu.memref_squeeze %dma_start3A_139 : memref<1x64x128xf32, #tpu.memory_space<vmem>> -> memref<64x128xf32, #tpu.memory_space<vmem>>
      %dma_start3A_141 = arith.constant 0 : i32
      %dma_start3A_142 = tpu.memref_slice %arg4[%add3A_121, %dma_start3A_141] : memref<204800x128xf32, #tpu.memory_space<hbm>> -> memref<64x128xf32, #tpu.memory_space<hbm>>
      %dma_start3A_143 = arith.constant 0 : i32
      %dma_start3A_144 = tpu.memref_slice %arg4[%add3A_121, %dma_start3A_143] : memref<204800x128xf32, #tpu.memory_space<hbm>> -> memref<64x128xf32, #tpu.memory_space<hbm>>
      %dma_start3A_145 = arith.constant 0 : i32
      %dma_start3A_146 = arith.constant 0 : i32
      %dma_start3A_147 = tpu.memref_slice %arg6[%run_scoped3A_122, %dma_start3A_145, %dma_start3A_146] : memref<8x64x128xf32, #tpu.memory_space<vmem>> -> memref<1x64x128xf32, #tpu.memory_space<vmem>>
      %dma_start3A_148 = tpu.memref_squeeze %dma_start3A_147 : memref<1x64x128xf32, #tpu.memory_space<vmem>> -> memref<64x128xf32, #tpu.memory_space<vmem>>
      tpu.enqueue_dma source(%dma_start3A_148 : memref<64x128xf32, #tpu.memory_space<vmem>>) target(%dma_start3A_144 : memref<64x128xf32, #tpu.memory_space<hbm>>) target_semaphore(%run_scoped3A_136 : memref<!tpu.dma_semaphore, #tpu.memory_space<semaphore_mem>>)
      %dma_wait3A_149 = arith.constant 0 : i32
      %dma_wait3A_150 = arith.constant 0 : i32
      %dma_wait3A_151 = tpu.memref_slice %arg6[%run_scoped3A_122, %dma_wait3A_149, %dma_wait3A_150] : memref<8x64x128xf32, #tpu.memory_space<vmem>> -> memref<1x64x128xf32, #tpu.memory_space<vmem>>
      %dma_wait3A_152 = tpu.memref_squeeze %dma_wait3A_151 : memref<1x64x128xf32, #tpu.memory_space<vmem>> -> memref<64x128xf32, #tpu.memory_space<vmem>>
      %dma_wait3A_153 = arith.constant 0 : i32
      %dma_wait3A_154 = tpu.memref_slice %arg4[%add3A_121, %dma_wait3A_153] : memref<204800x128xf32, #tpu.memory_space<hbm>> -> memref<64x128xf32, #tpu.memory_space<hbm>>
      %dma_wait3A_155 = arith.constant 0 : i32
      %dma_wait3A_156 = tpu.memref_slice %arg4[%add3A_121, %dma_wait3A_155] : memref<204800x128xf32, #tpu.memory_space<hbm>> -> memref<64x128xf32, #tpu.memory_space<hbm>>
      %dma_wait3A_157 = arith.constant 0 : i32
      %dma_wait3A_158 = arith.constant 0 : i32
      %dma_wait3A_159 = tpu.memref_slice %arg6[%run_scoped3A_122, %dma_wait3A_157, %dma_wait3A_158] : memref<8x64x128xf32, #tpu.memory_space<vmem>> -> memref<1x64x128xf32, #tpu.memory_space<vmem>>
      %dma_wait3A_160 = tpu.memref_squeeze %dma_wait3A_159 : memref<1x64x128xf32, #tpu.memory_space<vmem>> -> memref<64x128xf32, #tpu.memory_space<vmem>>
      tpu.wait_dma2 semaphore(%run_scoped3A_136 : memref<!tpu.dma_semaphore, #tpu.memory_space<semaphore_mem>>) src(%dma_wait3A_160 : memref<64x128xf32, #tpu.memory_space<vmem>>) dst(%dma_wait3A_156 : memref<64x128xf32, #tpu.memory_space<hbm>>)
      tpu.yield
    }) : () -> ()
    %dma_wait3A_123 = arith.constant 3 : i32
    %dma_wait3A_124 = arith.constant 0 : i32
    %dma_wait3A_125 = arith.constant 0 : i32
    %dma_wait3A_126 = tpu.memref_slice %arg6[%dma_wait3A_123, %dma_wait3A_124, %dma_wait3A_125] : memref<8x64x128xf32, #tpu.memory_space<vmem>> -> memref<1x64x128xf32, #tpu.memory_space<vmem>>
    %dma_wait3A_127 = tpu.memref_squeeze %dma_wait3A_126 : memref<1x64x128xf32, #tpu.memory_space<vmem>> -> memref<64x128xf32, #tpu.memory_space<vmem>>
    %dma_wait3A_128 = arith.constant 6336 : i32
    %dma_wait3A_129 = tpu.memref_slice %arg5[%dma_wait3A_128] : memref<6400xi32, #tpu.memory_space<vmem>> -> memref<64xi32, #tpu.memory_space<vmem>>
    %dma_wait3A_130 = arith.constant 0 : i32
    %dma_wait3A_131 = arith.constant 0 : i32
    %dma_wait3A_132 = tpu.memref_slice %arg3[%dma_wait3A_130, %dma_wait3A_131] : memref<100000x128xf32, #tpu.memory_space<hbm>> -> memref<100000x128xf32, #tpu.memory_space<hbm>>
    tpu.wait_indirect_dma semaphore(%arg10 : memref<!tpu.dma_semaphore, #tpu.memory_space<semaphore_mem>>) src(%dma_wait3A_132 : memref<100000x128xf32, #tpu.memory_space<hbm>>) dst(%dma_wait3A_127 : memref<64x128xf32, #tpu.memory_space<vmem>>)
    %add3A_133 = arith.constant 6336 : i32
    %add3A_134 = arith.addi %mul3A_2, %add3A_133 : i32
    %run_scoped3A_135 = arith.constant 3 : i32
    "tpu.region"() ({
      %run_scoped3A_136 = tpu.sem_alloc : memref<!tpu.dma_semaphore, #tpu.memory_space<semaphore_mem>>
      %dma_start3A_137 = arith.constant 0 : i32
      %dma_start3A_138 = arith.constant 0 : i32
      %dma_start3A_139 = tpu.memref_slice %arg6[%run_scoped3A_135, %dma_start3A_137, %dma_start3A_138] : memref<8x64x128xf32, #tpu.memory_space<vmem>> -> memref<1x64x128xf32, #tpu.memory_space<vmem>>
      %dma_start3A_140 = tpu.memref_squeeze %dma_start3A_139 : memref<1x64x128xf32, #tpu.memory_space<vmem>> -> memref<64x128xf32, #tpu.memory_space<vmem>>
      %dma_start3A_141 = arith.constant 0 : i32
      %dma_start3A_142 = tpu.memref_slice %arg4[%add3A_134, %dma_start3A_141] : memref<204800x128xf32, #tpu.memory_space<hbm>> -> memref<64x128xf32, #tpu.memory_space<hbm>>
      %dma_start3A_143 = arith.constant 0 : i32
      %dma_start3A_144 = tpu.memref_slice %arg4[%add3A_134, %dma_start3A_143] : memref<204800x128xf32, #tpu.memory_space<hbm>> -> memref<64x128xf32, #tpu.memory_space<hbm>>
      %dma_start3A_145 = arith.constant 0 : i32
      %dma_start3A_146 = arith.constant 0 : i32
      %dma_start3A_147 = tpu.memref_slice %arg6[%run_scoped3A_135, %dma_start3A_145, %dma_start3A_146] : memref<8x64x128xf32, #tpu.memory_space<vmem>> -> memref<1x64x128xf32, #tpu.memory_space<vmem>>
      %dma_start3A_148 = tpu.memref_squeeze %dma_start3A_147 : memref<1x64x128xf32, #tpu.memory_space<vmem>> -> memref<64x128xf32, #tpu.memory_space<vmem>>
      tpu.enqueue_dma source(%dma_start3A_148 : memref<64x128xf32, #tpu.memory_space<vmem>>) target(%dma_start3A_144 : memref<64x128xf32, #tpu.memory_space<hbm>>) target_semaphore(%run_scoped3A_136 : memref<!tpu.dma_semaphore, #tpu.memory_space<semaphore_mem>>)
      %dma_wait3A_149 = arith.constant 0 : i32
      %dma_wait3A_150 = arith.constant 0 : i32
      %dma_wait3A_151 = tpu.memref_slice %arg6[%run_scoped3A_135, %dma_wait3A_149, %dma_wait3A_150] : memref<8x64x128xf32, #tpu.memory_space<vmem>> -> memref<1x64x128xf32, #tpu.memory_space<vmem>>
      %dma_wait3A_152 = tpu.memref_squeeze %dma_wait3A_151 : memref<1x64x128xf32, #tpu.memory_space<vmem>> -> memref<64x128xf32, #tpu.memory_space<vmem>>
      %dma_wait3A_153 = arith.constant 0 : i32
      %dma_wait3A_154 = tpu.memref_slice %arg4[%add3A_134, %dma_wait3A_153] : memref<204800x128xf32, #tpu.memory_space<hbm>> -> memref<64x128xf32, #tpu.memory_space<hbm>>
      %dma_wait3A_155 = arith.constant 0 : i32
      %dma_wait3A_156 = tpu.memref_slice %arg4[%add3A_134, %dma_wait3A_155] : memref<204800x128xf32, #tpu.memory_space<hbm>> -> memref<64x128xf32, #tpu.memory_space<hbm>>
      %dma_wait3A_157 = arith.constant 0 : i32
      %dma_wait3A_158 = arith.constant 0 : i32
      %dma_wait3A_159 = tpu.memref_slice %arg6[%run_scoped3A_135, %dma_wait3A_157, %dma_wait3A_158] : memref<8x64x128xf32, #tpu.memory_space<vmem>> -> memref<1x64x128xf32, #tpu.memory_space<vmem>>
      %dma_wait3A_160 = tpu.memref_squeeze %dma_wait3A_159 : memref<1x64x128xf32, #tpu.memory_space<vmem>> -> memref<64x128xf32, #tpu.memory_space<vmem>>
      tpu.wait_dma2 semaphore(%run_scoped3A_136 : memref<!tpu.dma_semaphore, #tpu.memory_space<semaphore_mem>>) src(%dma_wait3A_160 : memref<64x128xf32, #tpu.memory_space<vmem>>) dst(%dma_wait3A_156 : memref<64x128xf32, #tpu.memory_space<hbm>>)
      tpu.yield
    }) : () -> ()
    return
  }
}

</mosaic_0001>

<sc_bundles>
// kernel: kernel.3.cloned.1.call-start
scs
__scs_entry_jumppad:
0x0: {  	(pc) =	sbr.rel $0x88, $3  }
0x1: {  	(tag) =	ssettag $0x0;
	lr =	simm.s32 $0x1  }
0x2: {  	[smem:$0x3F9F] =	sst lr;
	_ =	strace $0xD0000000  }
0x3: {  	_ = 	snop  }
0x4: {  	_ = 	snop  }
0x5: {  	_ = 	snop  }
0x6: {  	_ = 	snop  }
0x7: {  	_ = 	snop  }
__scs_overlays_trampoline_lowered:
0x8: {  	[smem:$0x3FAE] =	sst s0  }
0x9: {  	[smem:$0x3FAF] =	sst s1  }
0xa: {  	[smem:$0x3FB0] =	sst s2  }
0xb: {  	[smem:$0x3FB1] =	sst s3  }
0xc: {  	[smem:$0x3FB2] =	sst s4  }
0xd: {  	[smem:$0x3FB3] =	sst s5  }
0xe: {  	[smem:$0x3FB4] =	sst s6  }
0xf: {  	[smem:$0x3FB5] =	sst s7  }
0x10: {  	[smem:$0x3FB6] =	sst s8  }
0x11: {  	[smem:$0x3FB7] =	sst s9;
	s0 =	simm.s32 @!p0 $0x0  }
0x12: {  	s1 =	sld [smem:$0x3F9D];
	s0 =	simm.s32 @p0 $0x1  }
0x13: {  	[smem:$0x3FB8] =	sst s0;
	s0 =	simm.s32 @!p1 $0x0  }
0x14: {  	s2 =	sld [smem:$0x3F9C];
	s0 =	simm.s32 @p1 $0x1  }
0x15: {  	[smem:$0x3FB9] =	sst s0;
	s0 =	simm.s32 @!p2 $0x0  }
0x16: {  	s3 =	sld [smem:$0x3FDB];
	s0 =	simm.s32 @p2 $0x1  }
0x17: {  	s4 =	simm.s32 $0x1BF5;
	[smem:$0x3FBB] =	sst s0  }
0x18: {  	s0 =	sld [smem:$0x3F9E];
	_ =	swait.ge [sflag:s4], $0x0  }
0x19: {  	s7 =	sld [smem:$0x3F9F]  }
0x1a: {  	s8 =	sadd.s32 $0xFFFFE003, lr  }
0x1b: {  	s9 =	sadd.s32 $0xFFFFFEF7, lr;
	s5 =	simm.s32 $0xFFFFFFFF;
	p2 =	slt.u32 s8, $0xFFFFF086  }
0x1c: {  	p1 =	slt.u32 s9, $0xF7A;
	s5 =	simm.s32 @!p2 $0x0  }
0x1d: {  	s5 =	simm.s32 @p1 $0x1;
	p0 =	seq.s32 s7, s2  }
0x1e: {  	s7 =	smul.u32 @!p0 $0xF7A, s2;
	p2 =	seq.s32 @!p0 s5, $0x0  }
0x1f: {  	s9 =	smul.u32 $0xF7A, s1;
	s8 =	simm.s32 @!p0 $0x1BF5;
	p2 =	por !p2, p0  }
0x20: {  	[sflag:s8] =	ssyncset.s32 @!p0 $0xFFFFF086;
	s6 =	sadd.s32 @!p0 s3, s7;
	s7 =	simm.s32 @!p0 $0x108  }
0x21: {  	s3 =	sadd.s32 s3, s9;
	s6 =	sadd.s32 @!p0 $0x88, s6;
	s7 =	simm.s32 @p2 $0x1082  }
0x22: {  	[simem:s7], [sflag:s8] =	dma.local @!p0 [hbm:s6], $0xF7A  }
0x23: {  	s9 =	sor.u32 $0xD0000000, s2;
	s6 =	simm.s32 $0x108;
	_ =	swait.ge @!p0 [sflag:s8], $0x0  }
0x24: {  	s3 =	sadd.s32 $0x88, s3;
	s6 =	simm.s32 @!p1 $0x1082;
	[sflag:s4] =	ssyncset.s32 $0xFFFFF086  }
0x25: {  	[simem:s6], [sflag:s4] =	dma.local [hbm:s3], $0xF7A  }
0x26: {  	[smem:$0x3F9F] =	sst s1;
	(tag) =	ssettag s2;
	_ =	strace s9  }
0x27: {  	s1 =	sld [smem:$0x3FAF]  }
0x28: {  	s2 =	sld [smem:$0x3FB0]  }
0x29: {  	s4 =	sld [smem:$0x3FB2]  }
0x2a: {  	p0 =	seq.s32 s5, $0x0;
	s5 =	sld [smem:$0x3FB3]  }
0x2b: {  	s6 =	sld [smem:$0x3FB4]  }
0x2c: {  	s7 =	sld [smem:$0x3FB5]  }
0x2d: {  	s3 =	simm.s32 $0x108;
	s8 =	sld [smem:$0x3FB6]  }
0x2e: {  	s3 =	simm.s32 @!p0 $0x1082;
	s9 =	sld [smem:$0x3FB7]  }
0x2f: {  	lr =	sadd.s32 s0, s3;
	s0 =	sld [smem:$0x3FAE]  }
0x30: {  	s3 =	sld [smem:$0x3FB1]  }
0x31: {  	[smem:$0x3FBA] =	sst s10  }
0x32: {  	s10 =	sld [smem:$0x3FB8];
	_ =	sdelay $0x3  }
0x33: {  	p0 =	seq.s32 s10, $0x1;
	s10 =	sld [smem:$0x3FBA];
	_ =	sdelay $0x3  }
0x34: {  	[smem:$0x3FBA] =	sst s10  }
0x35: {  	s10 =	sld [smem:$0x3FB9];
	_ =	sdelay $0x3  }
0x36: {  	p1 =	seq.s32 s10, $0x1;
	s10 =	sld [smem:$0x3FBA];
	_ =	sdelay $0x3  }
0x37: {  	[smem:$0x3FBA] =	sst s10  }
0x38: {  	s10 =	sld [smem:$0x3FBB]  }
0x39: {  	_ = 	snop;
	(pc) =	sbr.ind lr, $3  }
0x3a: {  	_ = 	snop  }
0x3b: {  	_ = 	snop  }
0x3c: {  	p2 =	seq.s32 s10, $0x1;
	s10 =	sld [smem:$0x3FBA]  }
0x3d: {  	_ =	shalt  }
0x3e: {  	_ =	shalt  }
0x3f: {  	_ =	shalt  }
0x40: {  	_ =	shalt  }
0x41: {  	_ =	shalt  }
0x42: {  	_ =	shalt  }
0x43: {  	_ =	shalt  }
0x44: {  	_ =	shalt  }
0x45: {  	_ =	shalt  }
0x46: {  	_ =	shalt  }
0x47: {  	_ =	shalt  }
0x48: {  	_ =	shalt  }
0x49: {  	_ =	shalt  }
0x4a: {  	_ =	shalt  }
0x4b: {  	_ =	shalt  }
0x4c: {  	_ =	shalt  }
0x4d: {  	_ =	shalt  }
0x4e: {  	_ =	shalt  }
0x4f: {  	_ =	shalt  }
0x50: {  	_ =	shalt  }
0x51: {  	_ =	shalt  }
0x52: {  	_ =	shalt  }
0x53: {  	_ =	shalt  }
0x54: {  	_ =	shalt  }
0x55: {  	_ =	shalt  }
0x56: {  	_ =	shalt  }
0x57: {  	_ =	shalt  }
0x58: {  	_ =	shalt  }
0x59: {  	_ =	shalt  }
0x5a: {  	_ =	shalt  }
0x5b: {  	_ =	shalt  }
0x5c: {  	_ =	shalt  }
0x5d: {  	_ =	shalt  }
0x5e: {  	_ =	shalt  }
0x5f: {  	_ =	shalt  }
0x60: {  	_ =	shalt  }
0x61: {  	_ =	shalt  }
0x62: {  	_ =	shalt  }
0x63: {  	_ =	shalt  }
0x64: {  	_ =	shalt  }
0x65: {  	_ =	shalt  }
0x66: {  	_ =	shalt  }
0x67: {  	_ =	shalt  }
0x68: {  	_ =	shalt  }
0x69: {  	_ =	shalt  }
0x6a: {  	_ =	shalt  }
0x6b: {  	_ =	shalt  }
0x6c: {  	_ =	shalt  }
0x6d: {  	_ =	shalt  }
0x6e: {  	_ =	shalt  }
0x6f: {  	_ =	shalt  }
0x70: {  	_ =	shalt  }
0x71: {  	_ =	shalt  }
0x72: {  	_ =	shalt  }
0x73: {  	_ =	shalt  }
0x74: {  	_ =	shalt  }
0x75: {  	_ =	shalt  }
0x76: {  	_ =	shalt  }
0x77: {  	_ =	shalt  }
0x78: {  	_ =	shalt  }
0x79: {  	_ =	shalt  }
0x7a: {  	_ =	shalt  }
0x7b: {  	_ =	shalt  }
0x7c: {  	_ =	shalt  }
0x7d: {  	_ =	shalt  }
0x7e: {  	_ =	shalt  }
0x7f: {  	_ =	shalt  }
0x80: {  	_ =	shalt  }
0x81: {  	_ =	shalt  }
0x82: {  	_ =	shalt  }
0x83: {  	_ =	shalt  }
0x84: {  	_ =	shalt  }
0x85: {  	_ =	shalt  }
0x86: {  	_ =	shalt  }
0x87: {  	_ =	shalt  }
.Lfunc_end0:
.L_simem_size_0:
called_computation.1_lowered:
.L_overlay_start_0:
0x88: {  	s2 =	sld [smem:$0x3FD9]  }
0x89: {  	s3 =	sld [smem:$0x3FFE];
	_ =	sdelay $0x1  }
0x8a: {  	s1 =	srdreg.scid  }
0x8b: {  	s0 =	sand.u32 $0x1, s1  }
0x8c: {  	s17 =	sshll.u32 s0, $0xA;
	s2 =	sadd.s32 s3, s2  }
0x8d: {  	s2 =	sadd.s32 s2, s17  }
0x8e: {  	[smem:$0x3FC6] =	sst s2  }
0x8f: {  	_ = 	snop  }
0x90: {  	s2 =	sld [smem:$0x3FC8]  }
0x91: {  	s18 =	sld [smem:$0x3FD0];
	(tm) =	ssettm $0x1  }
0x92: {  	s4 =	sld [smem:$0x3FFB];
	_ =	sdelay $0x3  }
0x93: {  	_ =	strace s4  }
0x94: {  	s4 =	sld [smem:$0x3FFC];
	_ =	sdelay $0x3  }
0x95: {  	_ =	strace s4  }
0x96: {  	s4 =	sld [smem:$0x3FFD];
	_ =	sdelay $0x3  }
0x97: {  	_ =	strace s4  }
0x98: {  	_ =	strace $0x8FFFFFFF  }
0x99: {  	s19 =	sld [smem:$0x3FDB];
	_ =	sdelay $0x1  }
0x9a: {  	s5 =	simm.s32 $_scs_section_size  }
0x9b: {  	s6 =	simm.s32 $_size__tile_overlayer_lowered;
	s7 =	simm.s32 $_tile_overlayer_lowered  }
0x9c: {  	s22 =	simm.s32 $0x1BFF;
	s21 =	sshll.u32 s7, $0x1;
	s4 =	sadd.s32 s5, s19  }
0x9d: {  	s8 =	simm.s32 $0x0;
	s20 =	sshll.u32 s6, $0x1;
	s6 =	sadd.s32 s21, s4  }
0x9e: {  	[timem:s8], [sflag:s22] =	dma.local [hbm:s6], s20  }
0x9f: {  	_ =	swait.ge [sflag:s22], s20  }
0xa0: {  	s5 =	ssub.s32 $0x0, s20;
	[sflag:s22] =	ssyncset.done $0x0  }
0xa1: {  	[sflag:s22] =	ssyncadd.s32 s5;
	_ =	sdelay $0x1  }
0xa2: {  	s23 =	simm.s32 $0x1B8B  }
0xa3: {  	_ =	swait.ge [sflag:s23], $0x1  }
0xa4: {  	[sflag:s23] =	ssyncset.done $0x0  }
0xa5: {  	s25 =	simm.s32 $0x1B8E;
	s24 =	sld [smem:$0x3FFE];
	[sflag:s23] =	ssyncadd.s32 $0xFFFFFFFF  }
0xa6: {  	s26 =	simm.s32 $execute0_lowered;
	[smem:$0x3FD2] =	sst s25  }
0xa7: {  	s6 =	sshll.u32 s26, $0x1;
	_ =	strace $0x80000046;
	[dreg:$0x1] =	wrdreg $0xFFFFFFFF  }
0xa8: {  	s28 =	simm.s32 $_size_execute0_lowered;
	s4 =	sadd.s32 s4, s6;
	[dreg:$0x0] =	wrdreg $0x0  }
0xa9: {  	s6 =	sshll.u32 s28, $0x1;
	[dreg:$0x2] =	wrdreg s4  }
0xaa: {  	[dreg:$0x3] =	wrdreg s6  }
0xab: {  	[dreg:$0x4] =	wrdreg $0xC0  }
0xac: {  	_ =	task [dreg:s8], $0x5FFFF  }
0xad: {  	[dreg:$0x1] =	wrdreg $0xFFFFFFFF  }
0xae: {  	[dreg:$0x0] =	wrdreg $0x60  }
0xaf: {  	[dreg:$0x2] =	wrdreg s24  }
0xb0: {  	[dreg:$0x3] =	wrdreg s2  }
0xb1: {  	[dreg:$0x4] =	wrdreg s18  }
0xb2: {  	[dreg:$0x5] =	wrdreg $0x9  }
0xb3: {  	_ =	task.clear_ibuf [dreg:s8], $0x6FFFF;
	_ =	strace $0x90000046  }
0xb4: {  	s29 =	simm.s32 $0x9;
	_ =	strace $0x80000048  }
0xb5: {  	_ =	swait.ge [sflag:s29], $0x1  }
0xb6: {  	[sflag:s29] =	ssyncadd.s32 $0xFFFFFFFF  }
0xb7: {  	_ =	strace $0x90000048  }
0xb8: {  	_ =	sfence  }
0xb9: {  	s30 =	sld [smem:$0x0];
	_ =	sdelay $0x2  }
0xba: {  	s31 =	sshll.u32 s1, $0xD;
	s1 =	sshrl.u32 s1, $0x2  }
0xbb: {  	s3 =	sand.u32 $0x4000, s31;
	s1 =	sadd.s32 s1, s30  }
0xbc: {  	s0 =	sor.u32 s3, s0;
	s1 =	sshll.u32 s1, $0x11  }
0xbd: {  	s0 =	sor.u32 s1, s0  }
0xbe: {  	s0 =	sadd.s32 $0x8F2B, s0  }
0xbf: {  	[sflag:s0] =	ssyncadd.remote.s32 $0x1  }
0xc0: {  	_ =	sfence.sel $0xFFFF  }
0xc1: {  	[dreg:$0x0] =	wrdreg $0xFFFFFFFF;
	(pc) =	sbr.abs _section_cstart, $3  }
0xc2: {  	[dreg:$0x1] =	wrdreg $0xFFFFFFFF  }
0xc3: {  	_ =	task.clear_ibuf [dreg:s8], $0x2FFFF;
	_ =	strace $0x9FFFFFFF  }
0xc4: {  	(tm) =	ssettm $0x7FFFFFFF  }
0xc5: {  	_ =	shalt  }
tec
execute0_lowered:
.L_overlay_start_1:
0x0: {  	(tag) =	ssettag $0x1  }
0x1: {  	s0 =	rddreg [dreg:$0x0]  }
0x2: {  	s1 =	srdreg.scid;
	s2 =	rddreg [dreg:$0x1]  }
0x3: {  	s11 =	stileid.u32;
	s4 =	rddreg [dreg:$0x2]  }
0x4: {  	s12 =	simm.s32 $0x9;
	s13 =	simm.s32 $0x40;
	s14 =	simm.s32 $0x1900  }
0x5: {  	s15 =	simm.s32 $0x3900;
	s17 =	simm.s32 $0x5900;
	s19 =	simm.s32 $0x7900  }
0x6: {  	s21 =	simm.s32 $0x9900;
	s28 =	simm.s32 $0xF900;
	s29 =	simm.s32 $0x1  }
0x7: {  	s30 =	simm.s32 $0x2;
	s31 =	simm.s32 $0x3;
	s10 =	smul.u32 $0x190000, s11  }
0x8: {  	s1 =	sand.u32 $0x1, s1;
	s3 =	sshll.u32 s11, $0x1;
	s11 =	smul.u32 $0x32000, s11  }
0x9: {  	s16 =	simm.s32 $0x6;
	s18 =	simm.s32 $0x7;
	s25 =	smul.u32 $0xC8000, s1  }
0xa: {  	s5 =	sor.u32 s1, s3;
	s7 =	ssub.s32 $0x2, s1;
	s1 =	smul.u32 $0x19000, s1  }
0xb: {  	s20 =	simm.s32 $0x8;
	s3 =	simm.s32 $0x0;
	s6 =	smul.u32 $0x1900, s5  }
0xc: {  	s22 =	simm.s32 $0x0;
	[smem:$0x7FF] =	sst s3;
	s5 =	smul.u32 $0xC8000, s5  }
0xd: {  	s23 =	sshrl.u32 s7, $0x1;
	s11 =	sadd.s32 s11, s4;
	_ =	strace $0x80000047  }
0xe: {  	s9 =	ssub.s32 s7, s23;
	s11 =	sadd.s32 s1, s11;
	s6 =	sshrl.u32 s6, $0x3  }
0xf: {  	s23 =	simm.s32 $0xB900;
	s5 =	sshrl.u32 s5, $0x3;
	s0 =	sadd.s32 s6, s0  }
0x10: {  	s1 =	simm.s32 $0x4;
	s8 =	sadd.s32 s4, s5;
	s0 =	sadd.s32 $0x800, s0  }
.Ltmp0:
0x11: {  	s24 =	sadd.s32 $0x18000, s8;
	[dreg:$0x4] =	wrdreg s0;
	(pc) =	sbr.rel .LBB2_1-.Ltmp0, $4  }
0x12: {  	s9 =	smax.u32 s9, $0x1;
	s5 =	sadd.s32 $0x18400, s8;
	[dreg:$0x5] =	wrdreg s24  }
0x13: {  	s26 =	sadd.s32 $0x18800, s8;
	[dreg:$0x6] =	wrdreg s5;
	s0 =	sadd.s32 s25, s10  }
0x14: {  	s8 =	sadd.s32 $0x18C00, s8;
	[dreg:$0x7] =	wrdreg s26;
	s0 =	sshrl.u32 s0, $0x3  }
0x15: {  	s25 =	simm.s32 $0xD900;
	s10 =	sadd.s32 s0, s4;
	s0 =	simm.s32 $0x5  }
.LBB2_4:
0x16: {  	_ =	swait.ge [sflag:s29], $0x2000  }
0x17: {  	[sflag:s29] =	ssyncset.done $0x0  }
0x18: {  	s4 =	rddreg [dreg:$0x5];
	[sflag:s29] =	ssyncadd.s32 $0xFFFFE000  }
0x19: {  	[hbm4b:s4+s3] =	stream.linear.scatter [tilespmem:s14], [sflag:$0x9], $0x2000, $0x38;
	[tilespmem:$0x11900] =	vst v63  }
0x1a: {  	_ =	swait.ge [sflag:s12], $0x2000  }
0x1b: {  	[sflag:s12] =	ssyncset.done $0x0  }
0x1c: {  	[sflag:s12] =	ssyncadd.s32 $0xFFFFE000  }
0x1d: {  	_ =	swait.ge [sflag:s30], $0x2000  }
0x1e: {  	[sflag:s30] =	ssyncset.done $0x0  }
0x1f: {  	s24 =	rddreg [dreg:$0x6];
	[sflag:s30] =	ssyncadd.s32 $0xFFFFE000  }
0x20: {  	[hbm4b:s24+s3] =	stream.linear.scatter [tilespmem:s15], [sflag:$0x9], $0x2000, $0x38;
	[tilespmem:$0x11900] =	vst v63  }
0x21: {  	_ =	swait.ge [sflag:s12], $0x2000  }
0x22: {  	[sflag:s12] =	ssyncset.done $0x0  }
0x23: {  	[sflag:s12] =	ssyncadd.s32 $0xFFFFE000  }
0x24: {  	_ =	swait.ge [sflag:s31], $0x2000  }
0x25: {  	[sflag:s31] =	ssyncset.done $0x0  }
0x26: {  	s26 =	rddreg [dreg:$0x7];
	[sflag:s31] =	ssyncadd.s32 $0xFFFFE000  }
0x27: {  	[hbm4b:s26+s3] =	stream.linear.scatter [tilespmem:s17], [sflag:$0x9], $0x2000, $0x38;
	[tilespmem:$0x11900] =	vst v63  }
0x28: {  	_ =	swait.ge [sflag:s12], $0x2000  }
0x29: {  	[sflag:s12] =	ssyncset.done $0x0  }
0x2a: {  	[sflag:s12] =	ssyncadd.s32 $0xFFFFE000  }
0x2b: {  	s22 =	sadd.s32 $0x1, s22;
	_ =	swait.ge [sflag:s1], $0x2000  }
0x2c: {  	p0 =	sne.s32 s22, s9;
	[sflag:s1] =	ssyncset.done $0x0  }
.Ltmp1:
0x2d: {  	[sflag:s1] =	ssyncadd.s32 $0xFFFFE000;
	(pc) =	sbr.rel @!p0 .LBB2_5-.Ltmp1, $4  }
0x2e: {  	[hbm4b:s8+s3] =	stream.linear.scatter [tilespmem:s19], [sflag:$0x9], $0x2000, $0x38;
	[tilespmem:$0x11900] =	vst v63  }
0x2f: {  	_ =	swait.ge [sflag:s12], $0x2000  }
0x30: {  	[sflag:s12] =	ssyncset.done $0x0  }
0x31: {  	[sflag:s12] =	ssyncadd.s32 $0xFFFFE000  }
.LBB2_1:
0x32: {  	s4 =	rddreg [dreg:$0x4]  }
0x33: {  	[tilespmem:s3], [sflag:$0x9] =	stream.linear.gather [hbm4b:s4+s3], $0x1900, $0x38;
	[tilespmem:$0x11900] =	vst v63  }
0x34: {  	_ =	swait.ge [sflag:s12], $0x1900  }
0x35: {  	[sflag:s12] =	ssyncset.done $0x0  }
0x36: {  	[sflag:s12] =	ssyncadd.s32 $0xFFFFE700  }
0x37: {  	[tilespmem:s14], [sflag:$0x1] =	stream.indirect.gather [hbm4b:s2+s13], $0x80, s3, s13, $0xb8;
	[tilespmem:$0x11900] =	vst v63  }
0x38: {  	_ = 	snop  }
0x39: {  	[tilespmem:s15], [sflag:$0x2] =	stream.indirect.gather [hbm4b:s2+s13], $0x80, s13, s13, $0xb8;
	[tilespmem:$0x11900] =	vst v63  }
0x3a: {  	s26 =	simm.s32 $0x80  }
0x3b: {  	[tilespmem:s17], [sflag:$0x3] =	stream.indirect.gather [hbm4b:s2+s13], $0x80, s26, s13, $0xb8;
	[tilespmem:$0x11900] =	vst v63  }
0x3c: {  	s5 =	simm.s32 $0xC0  }
0x3d: {  	[tilespmem:s19], [sflag:$0x4] =	stream.indirect.gather [hbm4b:s2+s13], $0x80, s5, s13, $0xb8;
	[tilespmem:$0x11900] =	vst v63  }
0x3e: {  	s6 =	simm.s32 $0x100  }
0x3f: {  	[tilespmem:s21], [sflag:$0x5] =	stream.indirect.gather [hbm4b:s2+s13], $0x80, s6, s13, $0xb8;
	[tilespmem:$0x11900] =	vst v63  }
0x40: {  	s7 =	simm.s32 $0x140  }
0x41: {  	[tilespmem:s23], [sflag:$0x6] =	stream.indirect.gather [hbm4b:s2+s13], $0x80, s7, s13, $0xb8;
	[tilespmem:$0x11900] =	vst v63  }
0x42: {  	s24 =	simm.s32 $0x180  }
0x43: {  	[tilespmem:s25], [sflag:$0x7] =	stream.indirect.gather [hbm4b:s2+s13], $0x80, s24, s13, $0xb8;
	[tilespmem:$0x11900] =	vst v63  }
0x44: {  	s26 =	simm.s32 $0x1C0  }
0x45: {  	[tilespmem:s28], [sflag:$0x8] =	stream.indirect.gather [hbm4b:s2+s13], $0x80, s26, s13, $0xb8;
	[tilespmem:$0x11900] =	vst v63  }
0x46: {  	s24 =	simm.s32 $0x3C0;
	s26 =	simm.s32 $0x0  }
.LBB2_2:
0x47: {  	_ =	swait.ge [sflag:s29], $0x2000  }
0x48: {  	[sflag:s29] =	ssyncset.done $0x0  }
0x49: {  	s4 =	sadd.s32 s26, s10;
	[sflag:s29] =	ssyncadd.s32 $0xFFFFE000  }
0x4a: {  	[hbm4b:s4+s3] =	stream.linear.scatter [tilespmem:s14], [sflag:$0x9], $0x2000, $0x38;
	[tilespmem:$0x11900] =	vst v63  }
0x4b: {  	_ =	swait.ge [sflag:s12], $0x2000  }
0x4c: {  	[sflag:s12] =	ssyncset.done $0x0  }
0x4d: {  	s6 =	sadd.s32 $0xFFFFFE40, s24;
	[sflag:s12] =	ssyncadd.s32 $0xFFFFE000  }
0x4e: {  	[tilespmem:s14], [sflag:$0x1] =	stream.indirect.gather [hbm4b:s2+s13], $0x80, s6, s13, $0xb8;
	[tilespmem:$0x11900] =	vst v63  }
0x4f: {  	_ =	swait.ge [sflag:s30], $0x2000  }
0x50: {  	s4 =	sadd.s32 s26, s11;
	[sflag:s30] =	ssyncset.done $0x0  }
0x51: {  	s5 =	sadd.s32 $0x400, s4;
	[sflag:s30] =	ssyncadd.s32 $0xFFFFE000  }
0x52: {  	[hbm4b:s5+s3] =	stream.linear.scatter [tilespmem:s15], [sflag:$0x9], $0x2000, $0x38;
	[tilespmem:$0x11900] =	vst v63  }
0x53: {  	_ =	swait.ge [sflag:s12], $0x2000  }
0x54: {  	[sflag:s12] =	ssyncset.done $0x0  }
0x55: {  	s7 =	sadd.s32 $0xFFFFFE80, s24;
	[sflag:s12] =	ssyncadd.s32 $0xFFFFE000  }
0x56: {  	[tilespmem:s15], [sflag:$0x2] =	stream.indirect.gather [hbm4b:s2+s13], $0x80, s7, s13, $0xb8;
	[tilespmem:$0x11900] =	vst v63  }
0x57: {  	_ =	swait.ge [sflag:s31], $0x2000  }
0x58: {  	[sflag:s31] =	ssyncset.done $0x0  }
0x59: {  	s6 =	sadd.s32 $0x800, s4;
	[sflag:s31] =	ssyncadd.s32 $0xFFFFE000  }
0x5a: {  	[hbm4b:s6+s3] =	stream.linear.scatter [tilespmem:s17], [sflag:$0x9], $0x2000, $0x38;
	[tilespmem:$0x11900] =	vst v63  }
0x5b: {  	_ =	swait.ge [sflag:s12], $0x2000  }
0x5c: {  	[sflag:s12] =	ssyncset.done $0x0  }
0x5d: {  	s7 =	sadd.s32 $0xFFFFFEC0, s24;
	[sflag:s12] =	ssyncadd.s32 $0xFFFFE000  }
0x5e: {  	[tilespmem:s17], [sflag:$0x3] =	stream.indirect.gather [hbm4b:s2+s13], $0x80, s7, s13, $0xb8;
	[tilespmem:$0x11900] =	vst v63  }
0x5f: {  	_ =	swait.ge [sflag:s1], $0x2000  }
0x60: {  	[sflag:s1] =	ssyncset.done $0x0  }
0x61: {  	s6 =	sadd.s32 $0xC00, s4;
	[sflag:s1] =	ssyncadd.s32 $0xFFFFE000  }
0x62: {  	[hbm4b:s6+s3] =	stream.linear.scatter [tilespmem:s19], [sflag:$0x9], $0x2000, $0x38;
	[tilespmem:$0x11900] =	vst v63  }
0x63: {  	_ =	swait.ge [sflag:s12], $0x2000  }
0x64: {  	[sflag:s12] =	ssyncset.done $0x0  }
0x65: {  	s7 =	sadd.s32 $0xFFFFFF00, s24;
	[sflag:s12] =	ssyncadd.s32 $0xFFFFE000  }
0x66: {  	[tilespmem:s19], [sflag:$0x4] =	stream.indirect.gather [hbm4b:s2+s13], $0x80, s7, s13, $0xb8;
	[tilespmem:$0x11900] =	vst v63  }
0x67: {  	_ =	swait.ge [sflag:s0], $0x2000  }
0x68: {  	[sflag:s0] =	ssyncset.done $0x0  }
0x69: {  	s6 =	sadd.s32 $0x1000, s4;
	[sflag:s0] =	ssyncadd.s32 $0xFFFFE000  }
0x6a: {  	[hbm4b:s6+s3] =	stream.linear.scatter [tilespmem:s21], [sflag:$0x9], $0x2000, $0x38;
	[tilespmem:$0x11900] =	vst v63  }
0x6b: {  	p0 =	seq.s32 s26, $0x16000;
	_ =	swait.ge [sflag:s12], $0x2000  }
0x6c: {  	s5 =	sadd.s32 @!p0 $0xFFFFFF40, s24;
	[sflag:s12] =	ssyncset.done $0x0  }
0x6d: {  	s7 =	simm.s32 @!p0 $0x9900;
	s6 =	simm.s32 @!p0 $0x40;
	[sflag:s12] =	ssyncadd.s32 $0xFFFFE000  }
0x6e: {  	[tilespmem:s7], [sflag:$0x5] =	stream.indirect.gather @!p0 [hbm4b:s2+s6], $0x80, s5, s6, $0xb8;
	[tilespmem:$0x11900] =	vst v63  }
0x6f: {  	_ =	swait.ge [sflag:s16], $0x2000  }
0x70: {  	[sflag:s16] =	ssyncset.done $0x0  }
0x71: {  	s7 =	sadd.s32 $0x1400, s4;
	[sflag:s16] =	ssyncadd.s32 $0xFFFFE000  }
0x72: {  	[hbm4b:s7+s3] =	stream.linear.scatter [tilespmem:s23], [sflag:$0x9], $0x2000, $0x38;
	[tilespmem:$0x11900] =	vst v63  }
0x73: {  	_ =	swait.ge [sflag:s12], $0x2000  }
0x74: {  	[sflag:s12] =	ssyncset.done $0x0  }
0x75: {  	s5 =	sadd.s32 @!p0 $0xFFFFFF80, s24;
	s7 =	simm.s32 @!p0 $0xB900;
	[sflag:s12] =	ssyncadd.s32 $0xFFFFE000  }
0x76: {  	[tilespmem:s7], [sflag:$0x6] =	stream.indirect.gather @!p0 [hbm4b:s2+s6], $0x80, s5, s6, $0xb8;
	[tilespmem:$0x11900] =	vst v63  }
0x77: {  	_ =	swait.ge [sflag:s18], $0x2000  }
0x78: {  	[sflag:s18] =	ssyncset.done $0x0  }
0x79: {  	s7 =	sadd.s32 $0x1800, s4;
	[sflag:s18] =	ssyncadd.s32 $0xFFFFE000  }
0x7a: {  	[hbm4b:s7+s3] =	stream.linear.scatter [tilespmem:s25], [sflag:$0x9], $0x2000, $0x38;
	[tilespmem:$0x11900] =	vst v63  }
0x7b: {  	_ =	swait.ge [sflag:s12], $0x2000  }
0x7c: {  	[sflag:s12] =	ssyncset.done $0x0  }
0x7d: {  	s5 =	sadd.s32 @!p0 $0xFFFFFFC0, s24;
	s7 =	simm.s32 @!p0 $0xD900;
	[sflag:s12] =	ssyncadd.s32 $0xFFFFE000  }
0x7e: {  	[tilespmem:s7], [sflag:$0x7] =	stream.indirect.gather @!p0 [hbm4b:s2+s6], $0x80, s5, s6, $0xb8;
	[tilespmem:$0x11900] =	vst v63  }
0x7f: {  	_ =	swait.ge [sflag:s20], $0x2000  }
0x80: {  	[sflag:s20] =	ssyncset.done $0x0  }
.Ltmp2:
0x81: {  	s4 =	sadd.s32 $0x1C00, s4;
	[sflag:s20] =	ssyncadd.s32 $0xFFFFE000;
	(pc) =	sbr.rel @p0 .LBB2_4-.Ltmp2, $4  }
0x82: {  	[hbm4b:s4+s3] =	stream.linear.scatter [tilespmem:s28], [sflag:$0x9], $0x2000, $0x38;
	[tilespmem:$0x11900] =	vst v63  }
0x83: {  	_ =	swait.ge [sflag:s12], $0x2000  }
0x84: {  	[sflag:s12] =	ssyncset.done $0x0  }
0x85: {  	[sflag:s12] =	ssyncadd.s32 $0xFFFFE000  }
.Ltmp3:
0x86: {  	(pc) =	sbr.rel .LBB2_2-.Ltmp3, $3  }
0x87: {  	_ =	sdelay $0x1  }
0x88: {  	[tilespmem:s28], [sflag:$0x8] =	stream.indirect.gather [hbm4b:s2+s13], $0x80, s24, s13, $0xb8;
	[tilespmem:$0x11900] =	vst v63  }
0x89: {  	s26 =	sadd.s32 $0x2000, s26;
	s24 =	sadd.s32 $0x200, s24  }
.LBB2_5:
0x8a: {  	_ =	sfence.sel $0x180000  }
0x8b: {  	[bflag:$0x0] =	sbarrier.arrive $0xFFFF  }
0x8c: {  	_ =	strace $0x90000047  }
0x8d: {  	s0 =	stileid.u32;
	[bflag:$0x2] =	sbarrier.arrive $0xFFFF  }
0x8e: {  	p0 =	sne.s32 s0, $0x0;
	s0 =	rddreg [dreg:$0x3]  }
0x8f: {  	s0 =	sadd.s32 @!p0 $0x100000, s0  }
0x90: {  	[sflag:s0] =	ssyncadd.tile.s32 @!p0 $0x1;
	_ =	shalt  }
.Lfunc_end2:
_tile_overlayer_lowered:
.L_overlay_start_2:
0x91: {  	(tag) =	ssettag $0x2  }
0x92: {  	s0 =	rddreg [dreg:$0x0];
	s2 =	stileid.u32  }
0x93: {  	s1 =	rddreg [dreg:$0x1];
	p0 =	sne.s32 s2, $0x0  }
0x94: {  	s3 =	rddreg [dreg:$0x2];
	[bflag:$0x3] =	sbarrier.arrive $0xFFFF;
	s2 =	simm.s32 @!p0 $0x1C09  }
0x95: {  	[timem:s3], [sflag:s2] =	dma.local @!p0 [hbm:s0], s1  }
0x96: {  	s0 =	simm.s32 @!p0 $0x9  }
0x97: {  	_ =	swait.ge @!p0 [sflag:s0], s1  }
0x98: {  	s1 =	ssub.s32 @!p0 $0x0, s1;
	[sflag:s0] =	ssyncset.done @!p0 $0x0  }
0x99: {  	[sflag:s0] =	ssyncadd.s32 @!p0 s1  }
0x9a: {  	[bflag:$0x3] =	sbarrier.arrive $0xFFFF  }
0x9b: {  	_ =	shalt  }

// kernel: sparse-core-data-format-call.cloned.1.call-start
scs
called_computation_lowered:
.L_overlay_start_0:
0x0: {  	s2 =	sld [smem:$0x3FD9]  }
0x1: {  	s3 =	sld [smem:$0x3FFE];
	_ =	sdelay $0x1  }
0x2: {  	s1 =	srdreg.scid  }
0x3: {  	s0 =	sand.u32 $0x1, s1  }
0x4: {  	s18 =	sshll.u32 s0, $0xA;
	s2 =	sadd.s32 s3, s2  }
0x5: {  	s2 =	sadd.s32 s2, s18  }
0x6: {  	[smem:$0x3FC6] =	sst s2  }
0x7: {  	_ = 	snop  }
0x8: {  	s2 =	sld [smem:$0x3FD0];
	(tm) =	ssettm $0x1  }
0x9: {  	s19 =	sld [smem:$0x3FFB];
	_ =	sdelay $0x3  }
0xa: {  	_ =	strace s19  }
0xb: {  	s3 =	sld [smem:$0x3FFC];
	_ =	sdelay $0x3  }
0xc: {  	_ =	strace s3  }
0xd: {  	s3 =	sld [smem:$0x3FFD];
	_ =	sdelay $0x3  }
0xe: {  	_ =	strace s3  }
0xf: {  	_ =	strace $0x8FFFFFFF  }
0x10: {  	s20 =	sld [smem:$0x3FDB];
	_ =	sdelay $0x1  }
0x11: {  	s4 =	simm.s32 $_scs_section_size  }
0x12: {  	s5 =	simm.s32 $_size__tile_overlayer_lowered;
	s6 =	simm.s32 $_tile_overlayer_lowered  }
0x13: {  	s23 =	simm.s32 $0x1BFF;
	s22 =	sshll.u32 s6, $0x1;
	s3 =	sadd.s32 s4, s20  }
0x14: {  	s7 =	simm.s32 $0x0;
	s21 =	sshll.u32 s5, $0x1;
	s5 =	sadd.s32 s22, s3  }
0x15: {  	[timem:s7], [sflag:s23] =	dma.local [hbm:s5], s21  }
0x16: {  	_ =	swait.ge [sflag:s23], s21  }
0x17: {  	s4 =	ssub.s32 $0x0, s21;
	[sflag:s23] =	ssyncset.done $0x0  }
0x18: {  	[sflag:s23] =	ssyncadd.s32 s4;
	_ =	sdelay $0x1  }
0x19: {  	s24 =	simm.s32 $0x1B8B  }
0x1a: {  	_ =	swait.ge [sflag:s24], $0x1  }
0x1b: {  	[sflag:s24] =	ssyncset.done $0x0  }
0x1c: {  	s26 =	simm.s32 $0x1B8E;
	s25 =	sld [smem:$0x3FFE];
	[sflag:s24] =	ssyncadd.s32 $0xFFFFFFFF  }
0x1d: {  	s27 =	simm.s32 $execute0_lowered;
	[smem:$0x3FD2] =	sst s26  }
0x1e: {  	s5 =	sshll.u32 s27, $0x1;
	_ =	strace $0x80000049;
	[dreg:$0x1] =	wrdreg $0xFFFFFFFF  }
0x1f: {  	s28 =	simm.s32 $_size_execute0_lowered;
	s3 =	sadd.s32 s3, s5;
	[dreg:$0x0] =	wrdreg $0x0  }
0x20: {  	s5 =	sshll.u32 s28, $0x1;
	[dreg:$0x2] =	wrdreg s3  }
0x21: {  	[dreg:$0x3] =	wrdreg s5  }
0x22: {  	[dreg:$0x4] =	wrdreg $0xC0  }
0x23: {  	_ =	task [dreg:s7], $0x5FFFF  }
0x24: {  	[dreg:$0x1] =	wrdreg $0xFFFFFFFF  }
0x25: {  	[dreg:$0x0] =	wrdreg $0x60  }
0x26: {  	[dreg:$0x2] =	wrdreg s25  }
0x27: {  	[dreg:$0x3] =	wrdreg s2  }
0x28: {  	[dreg:$0x4] =	wrdreg $0x9  }
0x29: {  	_ =	task.clear_ibuf [dreg:s7], $0x5FFFF;
	_ =	strace $0x90000049  }
0x2a: {  	s29 =	simm.s32 $0x9;
	_ =	strace $0x8000004B  }
0x2b: {  	_ =	swait.ge [sflag:s29], $0x1  }
0x2c: {  	[sflag:s29] =	ssyncadd.s32 $0xFFFFFFFF  }
0x2d: {  	_ =	strace $0x9000004B  }
0x2e: {  	_ =	sfence  }
0x2f: {  	s30 =	sld [smem:$0x0];
	_ =	sdelay $0x2  }
0x30: {  	s31 =	sshll.u32 s1, $0xD;
	s1 =	sshrl.u32 s1, $0x2  }
0x31: {  	s3 =	sand.u32 $0x4000, s31;
	s1 =	sadd.s32 s1, s30  }
0x32: {  	s0 =	sor.u32 s3, s0;
	s1 =	sshll.u32 s1, $0x11  }
0x33: {  	s0 =	sor.u32 s1, s0  }
0x34: {  	s0 =	sadd.s32 $0x8F2B, s0  }
0x35: {  	[sflag:s0] =	ssyncadd.remote.s32 $0x1  }
0x36: {  	_ =	sfence.sel $0xFFFF  }
0x37: {  	[dreg:$0x0] =	wrdreg $0xFFFFFFFF;
	(pc) =	sbr.abs _section_cstart, $3  }
0x38: {  	[dreg:$0x1] =	wrdreg $0xFFFFFFFF  }
0x39: {  	_ =	task.clear_ibuf [dreg:s7], $0x2FFFF;
	_ =	strace $0x9FFFFFFF  }
0x3a: {  	(tm) =	ssettm $0x7FFFFFFF  }
0x3b: {  	_ =	shalt  }
tec
execute0_lowered:
.L_overlay_start_1:
0x0: {  	(tag) =	ssettag $0x1  }
0x1: {  	s0 =	srdreg.scid  }
0x2: {  	s1 =	sshll.u32 s0, $0x4  }
0x3: {  	s0 =	stileid.u32;
	s1 =	sand.u32 $0x10, s1  }
0x4: {  	s1 =	sor.u32 s0, s1  }
0x5: {  	s6 =	rddreg [dreg:$0x0];
	s4 =	simm.s32 $0x1;
	s2 =	sshll.u32 s1, $0x6  }
0x6: {  	s7 =	simm.s32 $0x2;
	s13 =	simm.s32 $0x0;
	s1 =	ssub.s32 $0x1000, s2  }
0x7: {  	s8 =	simm.s32 $0x2000;
	s9 =	simm.s32 $0x80000;
	s3 =	sand.u32 $0x7C0, s1  }
0x8: {  	s14 =	simm.s32 $0x0;
	s5 =	sshrl.u32 s1, $0xB;
	p0 =	sne.s32 s3, $0x0  }
.Ltmp0:
0x9: {  	s1 =	rddreg [dreg:$0x2];
	s4 =	simm.s32 @!p0 $0x0;
	(pc) =	sbr.rel .LBB1_1-.Ltmp0, $4  }
0xa: {  	s10 =	simm.s32 $0x0;
	s3 =	rddreg [dreg:$0x1];
	s5 =	sadd.s32 s4, s5  }
0xb: {  	_ =	strace $0x8000004A;
	s4 =	simm.s32 $0x1;
	s5 =	smul.u32 $0x19, s5  }
0xc: {  	s12 =	simm.s32 $0x0;
	s6 =	sadd.s32 $0x800, s6;
	[sflag:s4] =	ssyncpa.u1 $0x0  }
0xd: {  	s11 =	smov.u32 s2;
	[sflag:s7] =	ssyncpa.u1 $0x0;
	s7 =	sadd.s32 $0x1, s5  }
.LBB1_7:
0xe: {  	s15 =	sadd.s32 $0x2, s10  }
0xf: {  	s13 =	sadd.s32 $0x800, s11;
	s17 =	smov.u32 s11;
	p1 =	sgt.s32 s15, $0x31  }
0x10: {  	s17 =	smov.u32 @p1 s13  }
0x11: {  	s15 =	simm.s32 @p1 $0x0;
	p1 =	sgt.s32 s17, $0xFFF  }
0x12: {  	s17 =	smov.u32 @p1 s2;
	p1 =	sne.s32 s12, s7  }
.Ltmp1:
0x13: {  	p0 =	slt.u32 s12, $0x2;
	(pc) =	sbr.rel @!p1 .LBB1_8-.Ltmp1, $4  }
0x14: {  	s16 =	simm.s32 @!p0 $0x2  }
0x15: {  	s14 =	smov.u32 s11;
	_ =	swait.ge @!p0 [sflag:s16], $0x4000  }
0x16: {  	s13 =	smov.u32 s10;
	[sflag:s16] =	ssyncset.done @!p0 $0x0;
	s10 =	smov.u32 s15  }
0x17: {  	s12 =	sadd.s32 $0x1, s12;
	[sflag:s16] =	ssyncadd.s32 @!p0 $0xFFFFC000;
	s11 =	smov.u32 s17  }
.LBB1_1:
0x18: {  	p0 =	sge.u32 s12, s5  }
0x19: {  	s15 =	sand.u32 @!p0 $0x1FFFFFF, s10  }
0x1a: {  	s16 =	smulhi.u32 @!p0 $0x4924925, s15;
	_ =	sdelay $0x1  }
0x1b: {  	s16 =	smul.u32 @!p0 $0x38, s16  }
0x1c: {  	s17 =	sxor.u32 @!p0 $0xFFFFFFFF, s12;
	s18 =	smul.u32 @!p0 $0x380, s11  }
0x1d: {  	s31 =	sadd.s32 $0xFFFFFFFF, s12;
	s17 =	sshll.u32 @!p0 s17, $0xE;
	s15 =	ssub.s32 @!p0 s15, s16  }
0x1e: {  	s16 =	sand.u32 @!p0 $0x4000, s17;
	s17 =	sadd.s32 @!p0 s6, s18;
	s15 =	sshll.u32 @!p0 s15, $0x4  }
0x1f: {  	s18 =	simm.s32 @!p0 $0x1C00;
	s15 =	sadd.s32 @!p0 s15, s17;
	s17 =	simm.s32 @!p0 $0x100  }
0x20: {  	[tilespmem:s16], [sflag:$0x1] =	stream.strided.gather @!p0 [hbm4b:s15+s17], $0x4000, s18, s17, $0x38;
	[tilespmem:$0x10000] =	vst v63  }
0x21: {  	p0 =	sge.u32 s31, s5  }
.Ltmp2:
0x22: {  	_ = 	snop;
	(pc) =	sbr.rel @p0 .LBB1_7-.Ltmp2, $1  }
0x23: {  	_ =	sdelay $0x3  }
0x24: {  	_ =	swait.ge [sflag:s4], $0x4000;
	s15 =	sshll.u32 s12, $0xE  }
0x25: {  	[sflag:s4] =	ssyncset.done $0x0;
	s16 =	sand.u32 $0x4000, s15  }
0x26: {  	s17 =	simm.s32 $0x0;
	[sflag:s4] =	ssyncadd.s32 $0xFFFFC000;
	s15 =	sor.u32 $0x8000, s16  }
.LBB1_3:
0x27: {  	s18 =	sshll.u32 s17, $0x8  }
0x28: {  	s18 =	sand.u32 $0x3FFFFF00, s18  }
0x29: {  	s19 =	sshll.u32 s17, $0x7;
	s18 =	sadd.s32 s18, s16  }
0x2a: {  	s19 =	sand.u32 $0x3FFFFF80, s19;
	v0 =	vmov s18  }
0x2b: {  	s19 =	sadd.s32 s19, s15  }
0x2c: {  	p0 =	por $0x1, $0x1;
	v1 =	vmov s19;
	s18 =	simm.s32 $0x0  }
.LBB1_4:
0x2d: {  	s19 =	sshll.u32 s18, $0x7  }
0x2e: {  	s19 =	sand.u32 $0x3FFFFF80, s19  }
0x2f: {  	v2 =	vld.idx.msk [tilespmem:v0+s19+$0x0 ss:$0x1], $0xffff  }
0x30: {  	v3 =	vld.idx.msk [tilespmem:v0+s19+$0x10 ss:$0x1], $0xffff  }
0x31: {  	v4 =	vld.idx.msk [tilespmem:v0+s19+$0x20 ss:$0x1], $0xffff  }
0x32: {  	s31 =	sshll.u32 s18, $0xD;
	v5 =	vld.idx.msk [tilespmem:v0+s19+$0x30 ss:$0x1], $0xffff  }
0x33: {  	s18 =	sand.u32 $0x3FFFE000, s31;
	v6 =	vld.idx.msk [tilespmem:v0+s19+$0x40 ss:$0x1], $0xffff  }
0x34: {  	v63 =	vld.idx.msk [tilespmem:v0+s19+$0x70 ss:$0x1], $0xffff;
	[tilespmem:v1+s18+$0x0 ss:$0x1] =	vst.idx.msk $0xffff, v2  }
0x35: {  	v2 =	vld.idx.msk [tilespmem:v0+s19+$0x50 ss:$0x1], $0xffff;
	[tilespmem:v1+s18+$0x10 ss:$0x1] =	vst.idx.msk $0xffff, v3  }
0x36: {  	p1 =	por p0, p0;
	v3 =	vld.idx.msk [tilespmem:v0+s19+$0x60 ss:$0x1], $0xffff;
	[tilespmem:v1+s18+$0x20 ss:$0x1] =	vst.idx.msk $0xffff, v4  }
.Ltmp3:
0x37: {  	[tilespmem:v1+s18+$0x30 ss:$0x1] =	vst.idx.msk $0xffff, v5;
	(pc) =	sbr.rel @p1 .LBB1_4-.Ltmp3, $4  }
0x38: {  	[tilespmem:v1+s18+$0x40 ss:$0x1] =	vst.idx.msk $0xffff, v6  }
0x39: {  	[tilespmem:v1+s18+$0x70 ss:$0x1] =	vst.idx.msk $0xffff, v63  }
0x3a: {  	[tilespmem:v1+s18+$0x50 ss:$0x1] =	vst.idx.msk $0xffff, v2  }
0x3b: {  	p0 =	por $0x0, $0x0;
	[tilespmem:v1+s18+$0x60 ss:$0x1] =	vst.idx.msk $0xffff, v3;
	s18 =	simm.s32 $0x1  }
0x3c: {  	s17 =	sadd.s32 $0x1, s17  }
0x3d: {  	p0 =	sne.s32 s17, $0x40  }
.Ltmp4:
0x3e: {  	_ = 	snop;
	(pc) =	sbr.rel @p0 .LBB1_3-.Ltmp4, $1  }
0x3f: {  	_ =	sdelay $0x3  }
.Ltmp5:
0x40: {  	s14 =	sshll.u32 s14, $0x4;
	(pc) =	sbr.rel .LBB1_7-.Ltmp5, $4  }
0x41: {  	s14 =	sand.u32 $0xFFF0, s14  }
0x42: {  	s13 =	sshll.u32 s13, $0x10;
	s14 =	sadd.s32 s3, s14  }
0x43: {  	s13 =	sadd.s32 s13, s14  }
0x44: {  	[hbm4b:s13+s8] =	stream.strided.scatter [tilespmem:s15], [sflag:$0x2], $0x4000, s9, s8, $0x38;
	[tilespmem:$0x10000] =	vst v63  }
.LBB1_8:
0x45: {  	_ =	sfence.sel $0x180000  }
0x46: {  	s2 =	simm.s32 $0x1;
	[bflag:$0x0] =	sbarrier.arrive $0xFFFF  }
0x47: {  	s31 =	simm.s32 $0x2;
	[sflag:s2] =	ssyncpa.u1 $0x1  }
0x48: {  	[sflag:s31] =	ssyncpa.u1 $0x1  }
0x49: {  	p0 =	sne.s32 s0, $0x0;
	_ =	strace $0x9000004A  }
0x4a: {  	s0 =	sadd.s32 @!p0 $0x100000, s1;
	[bflag:$0x2] =	sbarrier.arrive $0xFFFF  }
0x4b: {  	[sflag:s0] =	ssyncadd.tile.s32 @!p0 $0x1;
	_ =	shalt  }
.Lfunc_end1:
_tile_overlayer_lowered:
.L_overlay_start_2:
0x4c: {  	(tag) =	ssettag $0x2  }
0x4d: {  	s0 =	rddreg [dreg:$0x0];
	s2 =	stileid.u32  }
0x4e: {  	s1 =	rddreg [dreg:$0x1];
	p0 =	sne.s32 s2, $0x0  }
0x4f: {  	s3 =	rddreg [dreg:$0x2];
	[bflag:$0x3] =	sbarrier.arrive $0xFFFF;
	s2 =	simm.s32 @!p0 $0x1C01  }
0x50: {  	[timem:s3], [sflag:s2] =	dma.local @!p0 [hbm:s0], s1  }
0x51: {  	s0 =	simm.s32 @!p0 $0x1  }
0x52: {  	_ =	swait.ge @!p0 [sflag:s0], s1  }
0x53: {  	s1 =	ssub.s32 @!p0 $0x0, s1;
	[sflag:s0] =	ssyncset.done @!p0 $0x0  }
0x54: {  	[sflag:s0] =	ssyncadd.s32 @!p0 s1  }
0x55: {  	[bflag:$0x3] =	sbarrier.arrive $0xFFFF  }
0x56: {  	_ =	shalt  }

</sc_bundles>
